<compile_context>
chip_gen: v7x
topology: tpu7x:2x2x1
jax: 0.10.2.dev20260603
libtpu: 0.0.44.dev20260713+nightly
codegen_flags: <defaults>
</compile_context>

<pallas_src>
import functools

import jax
import jax.numpy as jnp
from jax import lax
from jax.experimental import pallas as pl
from jax.experimental.pallas import tpu as pltpu
from jax.experimental.pallas import tpu_sc as plsc

N_TOK = 1024
D_FEAT = 256
K_TOP = 64
N_FRAME = 32


FRAMES_PER_STEP = 8


def _one_frame(xb, wkq, base):
    proj = jnp.dot(xb, wkq, preferred_element_type=jnp.float32)
    kproj = proj[:, 0:4]
    qproj = proj[:, 4:8]

    h = jax.lax.dot_general(
        kproj, qproj,
        dimension_numbers=(((1,), (1,)), ((), ())),
        preferred_element_type=jnp.float32,
    )

    scale = 1.0 / jnp.sqrt(jnp.float32(D_FEAT))
    m = jnp.max(h, axis=1, keepdims=True)
    e = jnp.exp(scale * (h - m))
    s = jnp.sum(e, axis=1, keepdims=True)
    a = jnp.sum(e / s, axis=0, keepdims=True)

    a_col = jnp.transpose(a)
    i_col = jax.lax.broadcasted_iota(jnp.int32, (N_TOK, 1), 0)
    i_row = jax.lax.broadcasted_iota(jnp.int32, (1, N_TOK), 1)
    cmp = ((a_col > a) | ((a_col == a) & (i_col < i_row))).astype(jnp.float32)
    ones_row = jnp.ones((1, N_TOK), jnp.float32)
    rank = jnp.dot(ones_row, cmp, preferred_element_type=jnp.float32)
    rank_i = rank.astype(jnp.int32)
    r_iota = jax.lax.broadcasted_iota(jnp.int32, (K_TOP, N_TOK), 0)
    p = (r_iota == rank_i).astype(jnp.int32)

    token = jax.lax.broadcasted_iota(jnp.int32, (K_TOP, N_TOK), 1)
    return jnp.sum(p * (token + base), axis=1, keepdims=True)


def _topk_indices(xf, wkq, frame_offset, n_frames):
    def body(x_ref, wkq_ref, idx_ref):
        step = pl.program_id(0)
        wkq_v = wkq_ref[...]
        for f in range(FRAMES_PER_STEP):
            base = (frame_offset + step * FRAMES_PER_STEP + f) * N_TOK
            idx_ref[f] = _one_frame(x_ref[f], wkq_v, base)

    return pl.pallas_call(
        body,
        grid=(n_frames // FRAMES_PER_STEP,),
        in_specs=[
            pl.BlockSpec((FRAMES_PER_STEP, N_TOK, D_FEAT), lambda i: (i, 0, 0)),
            pl.BlockSpec((D_FEAT, 8), lambda i: (0, 0)),
        ],
        out_specs=pl.BlockSpec((FRAMES_PER_STEP, K_TOP, 1), lambda i: (i, 0, 0)),
        out_shape=jax.ShapeDtypeStruct((n_frames, K_TOP, 1), jnp.int32),
        compiler_params=pltpu.CompilerParams(
            dimension_semantics=("arbitrary",),
        ),
    )(xf, wkq)


def _make_sc_gather(b_total):
    info = plsc.get_sparse_core_info()
    nc, ns = info.num_cores, info.num_subcores
    nw = nc * ns
    b_per_w = b_total // nw
    mesh = plsc.VectorSubcoreMesh(core_axis_name="c", subcore_axis_name="s")

    @functools.partial(
        pl.kernel,
        mesh=mesh,
        out_type=jax.ShapeDtypeStruct((b_total, D_FEAT), jnp.float32),
        scratch_types=[
            pltpu.VMEM((b_per_w,), jnp.int32),
            pltpu.VMEM((b_per_w, D_FEAT), jnp.float32),
            pltpu.SemaphoreType.DMA,
        ],
    )
    def sc_gather(rows_hbm, idx_hbm, out_hbm, idx_v, rows_v, sem):
        wid = lax.axis_index("s") * nc + lax.axis_index("c")
        base = wid * b_per_w
        pltpu.sync_copy(idx_hbm.at[pl.ds(base, b_per_w)], idx_v)
        pltpu.async_copy(rows_hbm.at[idx_v], rows_v, sem).wait()
        pltpu.sync_copy(rows_v, out_hbm.at[pl.ds(base, b_per_w)])

    return sc_gather


def kernel(x, wk, wq):
    N, T, n, d_in = x.shape
    xf = x.reshape(N * T, n, d_in)
    wkq = jnp.concatenate([wk, wq], axis=1)
    rows = xf.reshape(N_FRAME * N_TOK, d_in)
    idx = _topk_indices(xf, wkq, 0, N_FRAME).reshape(N_FRAME * K_TOP)
    out = _make_sc_gather(N_FRAME * K_TOP)(rows, idx)
    return out.reshape(N, T, K_TOP, d_in)

# --- scband reference (transcript-rebuilt; emitter-appended) ---
"""Pipeline reference for scband-sparse-attention-3118146257661 (READ-ONLY COPY).

The authoritative reference and input builder live on the scoring server;
editing this copy changes nothing except your own understanding.
"""

import jax, jax.numpy as jnp
import numpy as np

D_IN = 256
D = 4
TOPK = 64

def setup_inputs(seed: int = 0):
    key = jax.random.key(seed)
    k1, k2, k3 = jax.random.split(key, 3)
    x = jax.random.normal(k1, (4, 8, 1024, D_IN), dtype=jnp.float32)
    wk = jax.random.normal(k2, (D_IN, D), dtype=jnp.float32)
    wq = jax.random.normal(k3, (D_IN, D), dtype=jnp.float32)
    return {"x": x, "wk": wk, "wq": wq}

def reference(x, wk, wq):
    N, T, n, d_in = x.shape
    xf = x.reshape(N * T, n, d_in)
    scale = 1.0 / jnp.sqrt(jnp.float32(d_in))
    kproj = jnp.matmul(xf, wk)
    qproj = jnp.matmul(xf, wq)
    h = jnp.matmul(kproj, jnp.swapaxes(qproj, 1, 2))
    A = jax.nn.softmax(scale * h, axis=-1).sum(axis=-2)
    idxs = jnp.argsort(-A, axis=-1)[:, :TOPK]
    out = jnp.take_along_axis(xf, idxs[:, :, None], axis=1)
    return out.reshape(N, T, TOPK, d_in)

if __name__ == "__main__":
    import jax
    _d = setup_inputs()
    print(jax.jit(kernel)(*tuple(_d.values())))

</pallas_src>

<mosaic_0001>
#map = affine_map<(d0, d1) -> (0, 0)>
#map1 = affine_map<(d0, d1) -> (0)>
module attributes {stable_mosaic.version = 14 : i64} {
  func.func @sc_gather(%arg0: i32, %arg1: i32, %arg2: memref<32768x256xf32, #tpu.memory_space<hbm>>, %arg3: memref<2048xi32, #tpu.memory_space<hbm>>, %arg4: memref<2048x256xf32, #tpu.memory_space<hbm>>, %arg5: memref<64xi32, #tpu.memory_space<vmem>>, %arg6: memref<64x256xf32, #tpu.memory_space<vmem>>, %arg7: memref<!tpu.dma_semaphore, #tpu.memory_space<semaphore_mem>>) attributes {dimension_semantics = [#tpu.dimension_semantics<core_parallel>, #tpu.dimension_semantics<subcore_parallel>], iteration_bounds = array<i64: 2, 16>, scalar_prefetch = 0 : i64, scratch_operands = 3 : i64, tpu.core_type = #tpu.core_type<sc_vector_subcore>, window_params = [{transform_indices = #map}, {transform_indices = #map1}, {transform_indices = #map}]} {
    %mul3A = arith.constant 2 : i32
    %mul3A_0 = arith.muli %arg1, %mul3A : i32
    %add3A = arith.addi %mul3A_0, %arg0 : i32
    %mul3A_1 = arith.constant 64 : i32
    %mul3A_2 = arith.muli %add3A, %mul3A_1 : i32
    "tpu.region"() ({
      %run_scoped3A = tpu.sem_alloc : memref<!tpu.dma_semaphore, #tpu.memory_space<semaphore_mem>>
      %dma_start3A_7 = tpu.memref_slice %arg3[%mul3A_2] : memref<2048xi32, #tpu.memory_space<hbm>> -> memref<64xi32, #tpu.memory_space<hbm>>
      %dma_start3A_8 = tpu.memref_slice %arg3[%mul3A_2] : memref<2048xi32, #tpu.memory_space<hbm>> -> memref<64xi32, #tpu.memory_space<hbm>>
      tpu.enqueue_dma source(%dma_start3A_8 : memref<64xi32, #tpu.memory_space<hbm>>) target(%arg5 : memref<64xi32, #tpu.memory_space<vmem>>) target_semaphore(%run_scoped3A : memref<!tpu.dma_semaphore, #tpu.memory_space<semaphore_mem>>)
      %dma_wait3A_9 = tpu.memref_slice %arg3[%mul3A_2] : memref<2048xi32, #tpu.memory_space<hbm>> -> memref<64xi32, #tpu.memory_space<hbm>>
      %dma_wait3A_10 = tpu.memref_slice %arg3[%mul3A_2] : memref<2048xi32, #tpu.memory_space<hbm>> -> memref<64xi32, #tpu.memory_space<hbm>>
      tpu.wait_dma2 semaphore(%run_scoped3A : memref<!tpu.dma_semaphore, #tpu.memory_space<semaphore_mem>>) src(%dma_wait3A_10 : memref<64xi32, #tpu.memory_space<hbm>>) dst(%arg5 : memref<64xi32, #tpu.memory_space<vmem>>)
      tpu.yield
    }) : () -> ()
    %dma_start3A = arith.constant 0 : i32
    %dma_start3A_3 = arith.constant 0 : i32
    %dma_start3A_4 = tpu.memref_slice %arg2[%dma_start3A, %dma_start3A_3] : memref<32768x256xf32, #tpu.memory_space<hbm>> -> memref<32768x256xf32, #tpu.memory_space<hbm>>
    tpu.enqueue_indirect_dma source(%dma_start3A_4 : memref<32768x256xf32, #tpu.memory_space<hbm>>) target(%arg6 : memref<64x256xf32, #tpu.memory_space<vmem>>) offsets(%arg5 : memref<64xi32, #tpu.memory_space<vmem>>) semaphore(%arg7 : memref<!tpu.dma_semaphore, #tpu.memory_space<semaphore_mem>>)
    %dma_wait3A = arith.constant 0 : i32
    %dma_wait3A_5 = arith.constant 0 : i32
    %dma_wait3A_6 = tpu.memref_slice %arg2[%dma_wait3A, %dma_wait3A_5] : memref<32768x256xf32, #tpu.memory_space<hbm>> -> memref<32768x256xf32, #tpu.memory_space<hbm>>
    tpu.wait_indirect_dma semaphore(%arg7 : memref<!tpu.dma_semaphore, #tpu.memory_space<semaphore_mem>>) src(%dma_wait3A_6 : memref<32768x256xf32, #tpu.memory_space<hbm>>) dst(%arg6 : memref<64x256xf32, #tpu.memory_space<vmem>>)
    "tpu.region"() ({
      %run_scoped3A = tpu.sem_alloc : memref<!tpu.dma_semaphore, #tpu.memory_space<semaphore_mem>>
      %dma_start3A_7 = arith.constant 0 : i32
      %dma_start3A_8 = tpu.memref_slice %arg4[%mul3A_2, %dma_start3A_7] : memref<2048x256xf32, #tpu.memory_space<hbm>> -> memref<64x256xf32, #tpu.memory_space<hbm>>
      %dma_start3A_9 = arith.constant 0 : i32
      %dma_start3A_10 = tpu.memref_slice %arg4[%mul3A_2, %dma_start3A_9] : memref<2048x256xf32, #tpu.memory_space<hbm>> -> memref<64x256xf32, #tpu.memory_space<hbm>>
      tpu.enqueue_dma source(%arg6 : memref<64x256xf32, #tpu.memory_space<vmem>>) target(%dma_start3A_10 : memref<64x256xf32, #tpu.memory_space<hbm>>) target_semaphore(%run_scoped3A : memref<!tpu.dma_semaphore, #tpu.memory_space<semaphore_mem>>)
      %dma_wait3A_11 = arith.constant 0 : i32
      %dma_wait3A_12 = tpu.memref_slice %arg4[%mul3A_2, %dma_wait3A_11] : memref<2048x256xf32, #tpu.memory_space<hbm>> -> memref<64x256xf32, #tpu.memory_space<hbm>>
      %dma_wait3A_13 = arith.constant 0 : i32
      %dma_wait3A_14 = tpu.memref_slice %arg4[%mul3A_2, %dma_wait3A_13] : memref<2048x256xf32, #tpu.memory_space<hbm>> -> memref<64x256xf32, #tpu.memory_space<hbm>>
      tpu.wait_dma2 semaphore(%run_scoped3A : memref<!tpu.dma_semaphore, #tpu.memory_space<semaphore_mem>>) src(%arg6 : memref<64x256xf32, #tpu.memory_space<vmem>>) dst(%dma_wait3A_14 : memref<64x256xf32, #tpu.memory_space<hbm>>)
      tpu.yield
    }) : () -> ()
    return
  }
}

module attributes {stable_mosaic.version = 14 : i64} {
  func.func @body(%arg0: i32, %arg1: memref<8x1024x256xf32, #tpu.memory_space<vmem>>, %arg2: memref<256x8xf32, #tpu.memory_space<vmem>>, %arg3: memref<8x64x1xi32, #tpu.memory_space<vmem>>) attributes {dimension_semantics = [#tpu.dimension_semantics<arbitrary>], iteration_bounds = array<i64: 4>, scalar_prefetch = 0 : i64, scratch_operands = 0 : i64, tpu.core_type = #tpu.core_type<tc>, window_params = [{transform_indices = @transform_0, window_bounds = array<i64: 8, 1024, 256>}, {pipeline_mode = #tpu.pipeline_mode<synchronous>, transform_indices = @transform_1, window_bounds = array<i64: 256, 8>}, {transform_indices = @transform_2, window_bounds = array<i64: 8, 64, 1>}]} {
    %get3A = arith.constant 0 : index
    %get3A_0 = arith.constant 0 : index
    %get3A_1 = vector.load %arg2[%get3A, %get3A_0] : memref<256x8xf32, #tpu.memory_space<vmem>>, vector<256x8xf32>
    %mul3A = arith.constant 8 : i32
    %mul3A_2 = arith.muli %arg0, %mul3A : i32
    %add3A = arith.constant 0 : i32
    %add3A_3 = arith.addi %add3A, %mul3A_2 : i32
    %add3A_4 = arith.constant 0 : i32
    %add3A_5 = arith.addi %add3A_3, %add3A_4 : i32
    %mul3A_6 = arith.constant 1024 : i32
    %mul3A_7 = arith.muli %add3A_5, %mul3A_6 : i32
    %get3A_8 = arith.constant 0 : index
    %get3A_9 = arith.constant 0 : index
    %get3A_10 = arith.constant 0 : index
    %get3A_11 = vector.load %arg1[%get3A_8, %get3A_9, %get3A_10] : memref<8x1024x256xf32, #tpu.memory_space<vmem>>, vector<1x1024x256xf32>
    %get3A_12 = vector.shape_cast %get3A_11 : vector<1x1024x256xf32> to vector<1024x256xf32>
    %dot_general3A = arith.constant dense<0.000000e+00> : vector<1024x8xf32>
    %dot_general3A_13 = tpu.matmul %get3A_12, %get3A_1, %dot_general3A {dimension_numbers = #tpu.dot_dimension_numbers<[1], [0], [0], [1], [0, 0, 1, 1], [], []>, transpose_lhs_hint = false} : vector<1024x256xf32>, vector<256x8xf32>, vector<1024x8xf32> -> vector<1024x8xf32>
    %slice3A = vector.extract_strided_slice %dot_general3A_13 {offsets = [0, 0], sizes = [1024, 4], strides = [1, 1]} : vector<1024x8xf32> to vector<1024x4xf32>
    %slice3A_14 = vector.extract_strided_slice %dot_general3A_13 {offsets = [0, 4], sizes = [1024, 4], strides = [1, 1]} : vector<1024x8xf32> to vector<1024x4xf32>
    %dot_general3A_15 = arith.constant dense<0.000000e+00> : vector<1024x1024xf32>
    %dot_general3A_16 = tpu.matmul %slice3A, %slice3A_14, %dot_general3A_15 {dimension_numbers = #tpu.dot_dimension_numbers<[1], [1], [0], [0], [0, 0, 1, 0], [], []>, transpose_lhs_hint = false} : vector<1024x4xf32>, vector<1024x4xf32>, vector<1024x1024xf32> -> vector<1024x1024xf32>
    %sqrt3A = arith.constant 2.560000e+02 : f32
    %sqrt3A_17 = math.sqrt %sqrt3A : f32
    %div3A = arith.constant 1.000000e+00 : f32
    %div3A_18 = arith.divf %div3A, %sqrt3A_17 : f32
    %reduce_max3A = arith.constant dense<0xFF800000> : vector<1024xf32>
    %reduce_max3A_19 = vector.multi_reduction <maximumf>, %dot_general3A_16, %reduce_max3A [1] : vector<1024x1024xf32> to vector<1024xf32>
    %broadcast_in_dim3A = vector.shape_cast %reduce_max3A_19 : vector<1024xf32> to vector<1024x1xf32>
    %sub3A = vector.broadcast %broadcast_in_dim3A : vector<1024x1xf32> to vector<1024x1024xf32>
    %sub3A_20 = arith.subf %dot_general3A_16, %sub3A : vector<1024x1024xf32>
    %mul3A_21 = vector.broadcast %div3A_18 : f32 to vector<1024x1024xf32>
    %mul3A_22 = arith.mulf %mul3A_21, %sub3A_20 : vector<1024x1024xf32>
    %exp3A = math.exp %mul3A_22 : vector<1024x1024xf32>
    %reduce_sum3A = arith.constant dense<0.000000e+00> : vector<1024xf32>
    %reduce_sum3A_23 = vector.multi_reduction <add>, %exp3A, %reduce_sum3A [1] : vector<1024x1024xf32> to vector<1024xf32>
    %broadcast_in_dim3A_24 = vector.shape_cast %reduce_sum3A_23 : vector<1024xf32> to vector<1024x1xf32>
    %div3A_25 = vector.broadcast %broadcast_in_dim3A_24 : vector<1024x1xf32> to vector<1024x1024xf32>
    %div3A_26 = arith.divf %exp3A, %div3A_25 : vector<1024x1024xf32>
    %reduce_sum3A_27 = arith.constant dense<0.000000e+00> : vector<1024xf32>
    %reduce_sum3A_28 = vector.multi_reduction <add>, %div3A_26, %reduce_sum3A_27 [0] : vector<1024x1024xf32> to vector<1024xf32>
    %broadcast_in_dim3A_29 = vector.shape_cast %reduce_sum3A_28 : vector<1024xf32> to vector<1x1024xf32>
    %transpose3A = tpu.transpose %broadcast_in_dim3A_29, [1, 0] : vector<1x1024xf32> -> vector<1024x1xf32>
    %iota3A = tpu.iota {dimensions = array<i32: 0>} : vector<1024x1xi32>
    %iota3A_30 = tpu.iota {dimensions = array<i32: 1>} : vector<1x1024xi32>
    %gt3A = vector.broadcast %transpose3A : vector<1024x1xf32> to vector<1024x1024xf32>
    %gt3A_31 = vector.broadcast %broadcast_in_dim3A_29 : vector<1x1024xf32> to vector<1024x1024xf32>
    %gt3A_32 = arith.cmpf ogt, %gt3A, %gt3A_31 : vector<1024x1024xf32>
    %eq3A = vector.broadcast %transpose3A : vector<1024x1xf32> to vector<1024x1024xf32>
    %eq3A_33 = vector.broadcast %broadcast_in_dim3A_29 : vector<1x1024xf32> to vector<1024x1024xf32>
    %eq3A_34 = arith.cmpf oeq, %eq3A, %eq3A_33 : vector<1024x1024xf32>
    %lt3A = vector.broadcast %iota3A : vector<1024x1xi32> to vector<1024x1024xi32>
    %lt3A_35 = vector.broadcast %iota3A_30 : vector<1x1024xi32> to vector<1024x1024xi32>
    %lt3A_36 = arith.cmpi slt, %lt3A, %lt3A_35 : vector<1024x1024xi32>
    %and3A = arith.andi %eq3A_34, %lt3A_36 : vector<1024x1024xi1>
    %or3A = arith.ori %gt3A_32, %and3A : vector<1024x1024xi1>
    %convert_element_type3A = arith.extui %or3A : vector<1024x1024xi1> to vector<1024x1024xi32>
    %convert_element_type3A_37 = arith.sitofp %convert_element_type3A : vector<1024x1024xi32> to vector<1024x1024xf32>
    %broadcast_in_dim3A_38 = arith.constant 1.000000e+00 : f32
    %broadcast_in_dim3A_39 = vector.broadcast %broadcast_in_dim3A_38 : f32 to vector<1x1024xf32>
    %dot_general3A_40 = arith.constant dense<0.000000e+00> : vector<1x1024xf32>
    %dot_general3A_41 = tpu.matmul %broadcast_in_dim3A_39, %convert_element_type3A_37, %dot_general3A_40 {dimension_numbers = #tpu.dot_dimension_numbers<[1], [0], [0], [1], [0, 0, 1, 1], [], []>, transpose_lhs_hint = false} : vector<1x1024xf32>, vector<1024x1024xf32>, vector<1x1024xf32> -> vector<1x1024xf32>
    %convert_element_type3A_42 = arith.fptosi %dot_general3A_41 : vector<1x1024xf32> to vector<1x1024xi32>
    %iota3A_43 = tpu.iota {dimensions = array<i32: 0>} : vector<64x1024xi32>
    %eq3A_44 = vector.broadcast %convert_element_type3A_42 : vector<1x1024xi32> to vector<64x1024xi32>
    %eq3A_45 = arith.cmpi eq, %iota3A_43, %eq3A_44 : vector<64x1024xi32>
    %convert_element_type3A_46 = arith.extui %eq3A_45 : vector<64x1024xi1> to vector<64x1024xi32>
    %iota3A_47 = tpu.iota {dimensions = array<i32: 1>} : vector<64x1024xi32>
    %add3A_48 = vector.broadcast %mul3A_7 : i32 to vector<64x1024xi32>
    %add3A_49 = arith.addi %iota3A_47, %add3A_48 : vector<64x1024xi32>
    %mul3A_50 = arith.muli %convert_element_type3A_46, %add3A_49 : vector<64x1024xi32>
    %reduce_sum3A_51 = arith.constant dense<0> : vector<64xi32>
    %reduce_sum3A_52 = vector.multi_reduction <add>, %mul3A_50, %reduce_sum3A_51 [1] : vector<64x1024xi32> to vector<64xi32>
    %broadcast_in_dim3A_53 = vector.shape_cast %reduce_sum3A_52 : vector<64xi32> to vector<64x1xi32>
    %swap3A = arith.constant 0 : index
    %swap3A_54 = arith.constant 0 : index
    %swap3A_55 = arith.constant 0 : index
    %swap3A_56 = vector.load %arg3[%swap3A, %swap3A_54, %swap3A_55] : memref<8x64x1xi32, #tpu.memory_space<vmem>>, vector<1x64x1xi32>
    %swap3A_57 = vector.shape_cast %swap3A_56 : vector<1x64x1xi32> to vector<64x1xi32>
    %swap3A_58 = vector.shape_cast %broadcast_in_dim3A_53 : vector<64x1xi32> to vector<1x64x1xi32>
    tpu.vector_store %arg3[%swap3A, %swap3A_54, %swap3A_55], %swap3A_58 {strides = array<i32>} : memref<8x64x1xi32, #tpu.memory_space<vmem>>, vector<1x64x1xi32>,
    %mul3A_59 = arith.constant 8 : i32
    %mul3A_60 = arith.muli %arg0, %mul3A_59 : i32
    %add3A_61 = arith.constant 0 : i32
    %add3A_62 = arith.addi %add3A_61, %mul3A_60 : i32
    %add3A_63 = arith.constant 1 : i32
    %add3A_64 = arith.addi %add3A_62, %add3A_63 : i32
    %mul3A_65 = arith.constant 1024 : i32
    %mul3A_66 = arith.muli %add3A_64, %mul3A_65 : i32
    %get3A_67 = arith.constant 1 : index
    %get3A_68 = arith.constant 0 : index
    %get3A_69 = arith.constant 0 : index
    %get3A_70 = vector.load %arg1[%get3A_67, %get3A_68, %get3A_69] : memref<8x1024x256xf32, #tpu.memory_space<vmem>>, vector<1x1024x256xf32>
    %get3A_71 = vector.shape_cast %get3A_70 : vector<1x1024x256xf32> to vector<1024x256xf32>
    %dot_general3A_72 = arith.constant dense<0.000000e+00> : vector<1024x8xf32>
    %dot_general3A_73 = tpu.matmul %get3A_71, %get3A_1, %dot_general3A_72 {dimension_numbers = #tpu.dot_dimension_numbers<[1], [0], [0], [1], [0, 0, 1, 1], [], []>, transpose_lhs_hint = false} : vector<1024x256xf32>, vector<256x8xf32>, vector<1024x8xf32> -> vector<1024x8xf32>
    %slice3A_74 = vector.extract_strided_slice %dot_general3A_73 {offsets = [0, 0], sizes = [1024, 4], strides = [1, 1]} : vector<1024x8xf32> to vector<1024x4xf32>
    %slice3A_75 = vector.extract_strided_slice %dot_general3A_73 {offsets = [0, 4], sizes = [1024, 4], strides = [1, 1]} : vector<1024x8xf32> to vector<1024x4xf32>
    %dot_general3A_76 = arith.constant dense<0.000000e+00> : vector<1024x1024xf32>
    %dot_general3A_77 = tpu.matmul %slice3A_74, %slice3A_75, %dot_general3A_76 {dimension_numbers = #tpu.dot_dimension_numbers<[1], [1], [0], [0], [0, 0, 1, 0], [], []>, transpose_lhs_hint = false} : vector<1024x4xf32>, vector<1024x4xf32>, vector<1024x1024xf32> -> vector<1024x1024xf32>
    %sqrt3A_78 = arith.constant 2.560000e+02 : f32
    %sqrt3A_79 = math.sqrt %sqrt3A_78 : f32
    %div3A_80 = arith.constant 1.000000e+00 : f32
    %div3A_81 = arith.divf %div3A_80, %sqrt3A_79 : f32
    %reduce_max3A_82 = arith.constant dense<0xFF800000> : vector<1024xf32>
    %reduce_max3A_83 = vector.multi_reduction <maximumf>, %dot_general3A_77, %reduce_max3A_82 [1] : vector<1024x1024xf32> to vector<1024xf32>
    %broadcast_in_dim3A_84 = vector.shape_cast %reduce_max3A_83 : vector<1024xf32> to vector<1024x1xf32>
    %sub3A_85 = vector.broadcast %broadcast_in_dim3A_84 : vector<1024x1xf32> to vector<1024x1024xf32>
    %sub3A_86 = arith.subf %dot_general3A_77, %sub3A_85 : vector<1024x1024xf32>
    %mul3A_87 = vector.broadcast %div3A_81 : f32 to vector<1024x1024xf32>
    %mul3A_88 = arith.mulf %mul3A_87, %sub3A_86 : vector<1024x1024xf32>
    %exp3A_89 = math.exp %mul3A_88 : vector<1024x1024xf32>
    %reduce_sum3A_90 = arith.constant dense<0.000000e+00> : vector<1024xf32>
    %reduce_sum3A_91 = vector.multi_reduction <add>, %exp3A_89, %reduce_sum3A_90 [1] : vector<1024x1024xf32> to vector<1024xf32>
    %broadcast_in_dim3A_92 = vector.shape_cast %reduce_sum3A_91 : vector<1024xf32> to vector<1024x1xf32>
    %div3A_93 = vector.broadcast %broadcast_in_dim3A_92 : vector<1024x1xf32> to vector<1024x1024xf32>
    %div3A_94 = arith.divf %exp3A_89, %div3A_93 : vector<1024x1024xf32>
    %reduce_sum3A_95 = arith.constant dense<0.000000e+00> : vector<1024xf32>
    %reduce_sum3A_96 = vector.multi_reduction <add>, %div3A_94, %reduce_sum3A_95 [0] : vector<1024x1024xf32> to vector<1024xf32>
    %broadcast_in_dim3A_97 = vector.shape_cast %reduce_sum3A_96 : vector<1024xf32> to vector<1x1024xf32>
    %transpose3A_98 = tpu.transpose %broadcast_in_dim3A_97, [1, 0] : vector<1x1024xf32> -> vector<1024x1xf32>
    %iota3A_99 = tpu.iota {dimensions = array<i32: 0>} : vector<1024x1xi32>
    %iota3A_100 = tpu.iota {dimensions = array<i32: 1>} : vector<1x1024xi32>
    %gt3A_101 = vector.broadcast %transpose3A_98 : vector<1024x1xf32> to vector<1024x1024xf32>
    %gt3A_102 = vector.broadcast %broadcast_in_dim3A_97 : vector<1x1024xf32> to vector<1024x1024xf32>
    %gt3A_103 = arith.cmpf ogt, %gt3A_101, %gt3A_102 : vector<1024x1024xf32>
    %eq3A_104 = vector.broadcast %transpose3A_98 : vector<1024x1xf32> to vector<1024x1024xf32>
    %eq3A_105 = vector.broadcast %broadcast_in_dim3A_97 : vector<1x1024xf32> to vector<1024x1024xf32>
    %eq3A_106 = arith.cmpf oeq, %eq3A_104, %eq3A_105 : vector<1024x1024xf32>
    %lt3A_107 = vector.broadcast %iota3A_99 : vector<1024x1xi32> to vector<1024x1024xi32>
    %lt3A_108 = vector.broadcast %iota3A_100 : vector<1x1024xi32> to vector<1024x1024xi32>
    %lt3A_109 = arith.cmpi slt, %lt3A_107, %lt3A_108 : vector<1024x1024xi32>
    %and3A_110 = arith.andi %eq3A_106, %lt3A_109 : vector<1024x1024xi1>
    %or3A_111 = arith.ori %gt3A_103, %and3A_110 : vector<1024x1024xi1>
    %convert_element_type3A_112 = arith.extui %or3A_111 : vector<1024x1024xi1> to vector<1024x1024xi32>
    %convert_element_type3A_113 = arith.sitofp %convert_element_type3A_112 : vector<1024x1024xi32> to vector<1024x1024xf32>
    %broadcast_in_dim3A_114 = arith.constant 1.000000e+00 : f32
    %broadcast_in_dim3A_115 = vector.broadcast %broadcast_in_dim3A_114 : f32 to vector<1x1024xf32>
    %dot_general3A_116 = arith.constant dense<0.000000e+00> : vector<1x1024xf32>
    %dot_general3A_117 = tpu.matmul %broadcast_in_dim3A_115, %convert_element_type3A_113, %dot_general3A_116 {dimension_numbers = #tpu.dot_dimension_numbers<[1], [0], [0], [1], [0, 0, 1, 1], [], []>, transpose_lhs_hint = false} : vector<1x1024xf32>, vector<1024x1024xf32>, vector<1x1024xf32> -> vector<1x1024xf32>
    %convert_element_type3A_118 = arith.fptosi %dot_general3A_117 : vector<1x1024xf32> to vector<1x1024xi32>
    %iota3A_119 = tpu.iota {dimensions = array<i32: 0>} : vector<64x1024xi32>
    %eq3A_120 = vector.broadcast %convert_element_type3A_118 : vector<1x1024xi32> to vector<64x1024xi32>
    %eq3A_121 = arith.cmpi eq, %iota3A_119, %eq3A_120 : vector<64x1024xi32>
    %convert_element_type3A_122 = arith.extui %eq3A_121 : vector<64x1024xi1> to vector<64x1024xi32>
    %iota3A_123 = tpu.iota {dimensions = array<i32: 1>} : vector<64x1024xi32>
    %add3A_124 = vector.broadcast %mul3A_66 : i32 to vector<64x1024xi32>
    %add3A_125 = arith.addi %iota3A_123, %add3A_124 : vector<64x1024xi32>
    %mul3A_126 = arith.muli %convert_element_type3A_122, %add3A_125 : vector<64x1024xi32>
    %reduce_sum3A_127 = arith.constant dense<0> : vector<64xi32>
    %reduce_sum3A_128 = vector.multi_reduction <add>, %mul3A_126, %reduce_sum3A_127 [1] : vector<64x1024xi32> to vector<64xi32>
    %broadcast_in_dim3A_129 = vector.shape_cast %reduce_sum3A_128 : vector<64xi32> to vector<64x1xi32>
    %swap3A_130 = arith.constant 1 : index
    %swap3A_131 = arith.constant 0 : index
    %swap3A_132 = arith.constant 0 : index
    %swap3A_133 = vector.load %arg3[%swap3A_130, %swap3A_131, %swap3A_132] : memref<8x64x1xi32, #tpu.memory_space<vmem>>, vector<1x64x1xi32>
    %swap3A_134 = vector.shape_cast %swap3A_133 : vector<1x64x1xi32> to vector<64x1xi32>
    %swap3A_135 = vector.shape_cast %broadcast_in_dim3A_129 : vector<64x1xi32> to vector<1x64x1xi32>
    tpu.vector_store %arg3[%swap3A_130, %swap3A_131, %swap3A_132], %swap3A_135 {strides = array<i32>} : memref<8x64x1xi32, #tpu.memory_space<vmem>>, vector<1x64x1xi32>,
    %mul3A_136 = arith.constant 8 : i32
    %mul3A_137 = arith.muli %arg0, %mul3A_136 : i32
    %add3A_138 = arith.constant 0 : i32
    %add3A_139 = arith.addi %add3A_138, %mul3A_137 : i32
    %add3A_140 = arith.constant 2 : i32
    %add3A_141 = arith.addi %add3A_139, %add3A_140 : i32
    %mul3A_142 = arith.constant 1024 : i32
    %mul3A_143 = arith.muli %add3A_141, %mul3A_142 : i32
    %get3A_144 = arith.constant 2 : index
    %get3A_145 = arith.constant 0 : index
    %get3A_146 = arith.constant 0 : index
    %get3A_147 = vector.load %arg1[%get3A_144, %get3A_145, %get3A_146] : memref<8x1024x256xf32, #tpu.memory_space<vmem>>, vector<1x1024x256xf32>
    %get3A_148 = vector.shape_cast %get3A_147 : vector<1x1024x256xf32> to vector<1024x256xf32>
    %dot_general3A_149 = arith.constant dense<0.000000e+00> : vector<1024x8xf32>
    %dot_general3A_150 = tpu.matmul %get3A_148, %get3A_1, %dot_general3A_149 {dimension_numbers = #tpu.dot_dimension_numbers<[1], [0], [0], [1], [0, 0, 1, 1], [], []>, transpose_lhs_hint = false} : vector<1024x256xf32>, vector<256x8xf32>, vector<1024x8xf32> -> vector<1024x8xf32>
    %slice3A_151 = vector.extract_strided_slice %dot_general3A_150 {offsets = [0, 0], sizes = [1024, 4], strides = [1, 1]} : vector<1024x8xf32> to vector<1024x4xf32>
    %slice3A_152 = vector.extract_strided_slice %dot_general3A_150 {offsets = [0, 4], sizes = [1024, 4], strides = [1, 1]} : vector<1024x8xf32> to vector<1024x4xf32>
    %dot_general3A_153 = arith.constant dense<0.000000e+00> : vector<1024x1024xf32>
    %dot_general3A_154 = tpu.matmul %slice3A_151, %slice3A_152, %dot_general3A_153 {dimension_numbers = #tpu.dot_dimension_numbers<[1], [1], [0], [0], [0, 0, 1, 0], [], []>, transpose_lhs_hint = false} : vector<1024x4xf32>, vector<1024x4xf32>, vector<1024x1024xf32> -> vector<1024x1024xf32>
    %sqrt3A_155 = arith.constant 2.560000e+02 : f32
    %sqrt3A_156 = math.sqrt %sqrt3A_155 : f32
    %div3A_157 = arith.constant 1.000000e+00 : f32
    %div3A_158 = arith.divf %div3A_157, %sqrt3A_156 : f32
    %reduce_max3A_159 = arith.constant dense<0xFF800000> : vector<1024xf32>
    %reduce_max3A_160 = vector.multi_reduction <maximumf>, %dot_general3A_154, %reduce_max3A_159 [1] : vector<1024x1024xf32> to vector<1024xf32>
    %broadcast_in_dim3A_161 = vector.shape_cast %reduce_max3A_160 : vector<1024xf32> to vector<1024x1xf32>
    %sub3A_162 = vector.broadcast %broadcast_in_dim3A_161 : vector<1024x1xf32> to vector<1024x1024xf32>
    %sub3A_163 = arith.subf %dot_general3A_154, %sub3A_162 : vector<1024x1024xf32>
    %mul3A_164 = vector.broadcast %div3A_158 : f32 to vector<1024x1024xf32>
    %mul3A_165 = arith.mulf %mul3A_164, %sub3A_163 : vector<1024x1024xf32>
    %exp3A_166 = math.exp %mul3A_165 : vector<1024x1024xf32>
    %reduce_sum3A_167 = arith.constant dense<0.000000e+00> : vector<1024xf32>
    %reduce_sum3A_168 = vector.multi_reduction <add>, %exp3A_166, %reduce_sum3A_167 [1] : vector<1024x1024xf32> to vector<1024xf32>
    %broadcast_in_dim3A_169 = vector.shape_cast %reduce_sum3A_168 : vector<1024xf32> to vector<1024x1xf32>
    %div3A_170 = vector.broadcast %broadcast_in_dim3A_169 : vector<1024x1xf32> to vector<1024x1024xf32>
    %div3A_171 = arith.divf %exp3A_166, %div3A_170 : vector<1024x1024xf32>
    %reduce_sum3A_172 = arith.constant dense<0.000000e+00> : vector<1024xf32>
    %reduce_sum3A_173 = vector.multi_reduction <add>, %div3A_171, %reduce_sum3A_172 [0] : vector<1024x1024xf32> to vector<1024xf32>
    %broadcast_in_dim3A_174 = vector.shape_cast %reduce_sum3A_173 : vector<1024xf32> to vector<1x1024xf32>
    %transpose3A_175 = tpu.transpose %broadcast_in_dim3A_174, [1, 0] : vector<1x1024xf32> -> vector<1024x1xf32>
    %iota3A_176 = tpu.iota {dimensions = array<i32: 0>} : vector<1024x1xi32>
    %iota3A_177 = tpu.iota {dimensions = array<i32: 1>} : vector<1x1024xi32>
    %gt3A_178 = vector.broadcast %transpose3A_175 : vector<1024x1xf32> to vector<1024x1024xf32>
    %gt3A_179 = vector.broadcast %broadcast_in_dim3A_174 : vector<1x1024xf32> to vector<1024x1024xf32>
    %gt3A_180 = arith.cmpf ogt, %gt3A_178, %gt3A_179 : vector<1024x1024xf32>
    %eq3A_181 = vector.broadcast %transpose3A_175 : vector<1024x1xf32> to vector<1024x1024xf32>
    %eq3A_182 = vector.broadcast %broadcast_in_dim3A_174 : vector<1x1024xf32> to vector<1024x1024xf32>
    %eq3A_183 = arith.cmpf oeq, %eq3A_181, %eq3A_182 : vector<1024x1024xf32>
    %lt3A_184 = vector.broadcast %iota3A_176 : vector<1024x1xi32> to vector<1024x1024xi32>
    %lt3A_185 = vector.broadcast %iota3A_177 : vector<1x1024xi32> to vector<1024x1024xi32>
    %lt3A_186 = arith.cmpi slt, %lt3A_184, %lt3A_185 : vector<1024x1024xi32>
    %and3A_187 = arith.andi %eq3A_183, %lt3A_186 : vector<1024x1024xi1>
    %or3A_188 = arith.ori %gt3A_180, %and3A_187 : vector<1024x1024xi1>
    %convert_element_type3A_189 = arith.extui %or3A_188 : vector<1024x1024xi1> to vector<1024x1024xi32>
    %convert_element_type3A_190 = arith.sitofp %convert_element_type3A_189 : vector<1024x1024xi32> to vector<1024x1024xf32>
    %broadcast_in_dim3A_191 = arith.constant 1.000000e+00 : f32
    %broadcast_in_dim3A_192 = vector.broadcast %broadcast_in_dim3A_191 : f32 to vector<1x1024xf32>
    %dot_general3A_193 = arith.constant dense<0.000000e+00> : vector<1x1024xf32>
    %dot_general3A_194 = tpu.matmul %broadcast_in_dim3A_192, %convert_element_type3A_190, %dot_general3A_193 {dimension_numbers = #tpu.dot_dimension_numbers<[1], [0], [0], [1], [0, 0, 1, 1], [], []>, transpose_lhs_hint = false} : vector<1x1024xf32>, vector<1024x1024xf32>, vector<1x1024xf32> -> vector<1x1024xf32>
    %convert_element_type3A_195 = arith.fptosi %dot_general3A_194 : vector<1x1024xf32> to vector<1x1024xi32>
    %iota3A_196 = tpu.iota {dimensions = array<i32: 0>} : vector<64x1024xi32>
    %eq3A_197 = vector.broadcast %convert_element_type3A_195 : vector<1x1024xi32> to vector<64x1024xi32>
    %eq3A_198 = arith.cmpi eq, %iota3A_196, %eq3A_197 : vector<64x1024xi32>
    %convert_element_type3A_199 = arith.extui %eq3A_198 : vector<64x1024xi1> to vector<64x1024xi32>
    %iota3A_200 = tpu.iota {dimensions = array<i32: 1>} : vector<64x1024xi32>
    %add3A_201 = vector.broadcast %mul3A_143 : i32 to vector<64x1024xi32>
    %add3A_202 = arith.addi %iota3A_200, %add3A_201 : vector<64x1024xi32>
    %mul3A_203 = arith.muli %convert_element_type3A_199, %add3A_202 : vector<64x1024xi32>
    %reduce_sum3A_204 = arith.constant dense<0> : vector<64xi32>
    %reduce_sum3A_205 = vector.multi_reduction <add>, %mul3A_203, %reduce_sum3A_204 [1] : vector<64x1024xi32> to vector<64xi32>
    %broadcast_in_dim3A_206 = vector.shape_cast %reduce_sum3A_205 : vector<64xi32> to vector<64x1xi32>
    %swap3A_207 = arith.constant 2 : index
    %swap3A_208 = arith.constant 0 : index
    %swap3A_209 = arith.constant 0 : index
    %swap3A_210 = vector.load %arg3[%swap3A_207, %swap3A_208, %swap3A_209] : memref<8x64x1xi32, #tpu.memory_space<vmem>>, vector<1x64x1xi32>
    %swap3A_211 = vector.shape_cast %swap3A_210 : vector<1x64x1xi32> to vector<64x1xi32>
    %swap3A_212 = vector.shape_cast %broadcast_in_dim3A_206 : vector<64x1xi32> to vector<1x64x1xi32>
    tpu.vector_store %arg3[%swap3A_207, %swap3A_208, %swap3A_209], %swap3A_212 {strides = array<i32>} : memref<8x64x1xi32, #tpu.memory_space<vmem>>, vector<1x64x1xi32>,
    %mul3A_213 = arith.constant 8 : i32
    %mul3A_214 = arith.muli %arg0, %mul3A_213 : i32
    %add3A_215 = arith.constant 0 : i32
    %add3A_216 = arith.addi %add3A_215, %mul3A_214 : i32
    %add3A_217 = arith.constant 3 : i32
    %add3A_218 = arith.addi %add3A_216, %add3A_217 : i32
    %mul3A_219 = arith.constant 1024 : i32
    %mul3A_220 = arith.muli %add3A_218, %mul3A_219 : i32
    %get3A_221 = arith.constant 3 : index
    %get3A_222 = arith.constant 0 : index
    %get3A_223 = arith.constant 0 : index
    %get3A_224 = vector.load %arg1[%get3A_221, %get3A_222, %get3A_223] : memref<8x1024x256xf32, #tpu.memory_space<vmem>>, vector<1x1024x256xf32>
    %get3A_225 = vector.shape_cast %get3A_224 : vector<1x1024x256xf32> to vector<1024x256xf32>
    %dot_general3A_226 = arith.constant dense<0.000000e+00> : vector<1024x8xf32>
    %dot_general3A_227 = tpu.matmul %get3A_225, %get3A_1, %dot_general3A_226 {dimension_numbers = #tpu.dot_dimension_numbers<[1], [0], [0], [1], [0, 0, 1, 1], [], []>, transpose_lhs_hint = false} : vector<1024x256xf32>, vector<256x8xf32>, vector<1024x8xf32> -> vector<1024x8xf32>
    %slice3A_228 = vector.extract_strided_slice %dot_general3A_227 {offsets = [0, 0], sizes = [1024, 4], strides = [1, 1]} : vector<1024x8xf32> to vector<1024x4xf32>
    %slice3A_229 = vector.extract_strided_slice %dot_general3A_227 {offsets = [0, 4], sizes = [1024, 4], strides = [1, 1]} : vector<1024x8xf32> to vector<1024x4xf32>
    %dot_general3A_230 = arith.constant dense<0.000000e+00> : vector<1024x1024xf32>
    %dot_general3A_231 = tpu.matmul %slice3A_228, %slice3A_229, %dot_general3A_230 {dimension_numbers = #tpu.dot_dimension_numbers<[1], [1], [0], [0], [0, 0, 1, 0], [], []>, transpose_lhs_hint = false} : vector<1024x4xf32>, vector<1024x4xf32>, vector<1024x1024xf32> -> vector<1024x1024xf32>
    %sqrt3A_232 = arith.constant 2.560000e+02 : f32
    %sqrt3A_233 = math.sqrt %sqrt3A_232 : f32
    %div3A_234 = arith.constant 1.000000e+00 : f32
    %div3A_235 = arith.divf %div3A_234, %sqrt3A_233 : f32
    %reduce_max3A_236 = arith.constant dense<0xFF800000> : vector<1024xf32>
    %reduce_max3A_237 = vector.multi_reduction <maximumf>, %dot_general3A_231, %reduce_max3A_236 [1] : vector<1024x1024xf32> to vector<1024xf32>
    %broadcast_in_dim3A_238 = vector.shape_cast %reduce_max3A_237 : vector<1024xf32> to vector<1024x1xf32>
    %sub3A_239 = vector.broadcast %broadcast_in_dim3A_238 : vector<1024x1xf32> to vector<1024x1024xf32>
    %sub3A_240 = arith.subf %dot_general3A_231, %sub3A_239 : vector<1024x1024xf32>
    %mul3A_241 = vector.broadcast %div3A_235 : f32 to vector<1024x1024xf32>
    %mul3A_242 = arith.mulf %mul3A_241, %sub3A_240 : vector<1024x1024xf32>
    %exp3A_243 = math.exp %mul3A_242 : vector<1024x1024xf32>
    %reduce_sum3A_244 = arith.constant dense<0.000000e+00> : vector<1024xf32>
    %reduce_sum3A_245 = vector.multi_reduction <add>, %exp3A_243, %reduce_sum3A_244 [1] : vector<1024x1024xf32> to vector<1024xf32>
    %broadcast_in_dim3A_246 = vector.shape_cast %reduce_sum3A_245 : vector<1024xf32> to vector<1024x1xf32>
    %div3A_247 = vector.broadcast %broadcast_in_dim3A_246 : vector<1024x1xf32> to vector<1024x1024xf32>
    %div3A_248 = arith.divf %exp3A_243, %div3A_247 : vector<1024x1024xf32>
    %reduce_sum3A_249 = arith.constant dense<0.000000e+00> : vector<1024xf32>
    %reduce_sum3A_250 = vector.multi_reduction <add>, %div3A_248, %reduce_sum3A_249 [0] : vector<1024x1024xf32> to vector<1024xf32>
    %broadcast_in_dim3A_251 = vector.shape_cast %reduce_sum3A_250 : vector<1024xf32> to vector<1x1024xf32>
    %transpose3A_252 = tpu.transpose %broadcast_in_dim3A_251, [1, 0] : vector<1x1024xf32> -> vector<1024x1xf32>
    %iota3A_253 = tpu.iota {dimensions = array<i32: 0>} : vector<1024x1xi32>
    %iota3A_254 = tpu.iota {dimensions = array<i32: 1>} : vector<1x1024xi32>
    %gt3A_255 = vector.broadcast %transpose3A_252 : vector<1024x1xf32> to vector<1024x1024xf32>
    %gt3A_256 = vector.broadcast %broadcast_in_dim3A_251 : vector<1x1024xf32> to vector<1024x1024xf32>
    %gt3A_257 = arith.cmpf ogt, %gt3A_255, %gt3A_256 : vector<1024x1024xf32>
    %eq3A_258 = vector.broadcast %transpose3A_252 : vector<1024x1xf32> to vector<1024x1024xf32>
    %eq3A_259 = vector.broadcast %broadcast_in_dim3A_251 : vector<1x1024xf32> to vector<1024x1024xf32>
    %eq3A_260 = arith.cmpf oeq, %eq3A_258, %eq3A_259 : vector<1024x1024xf32>
    %lt3A_261 = vector.broadcast %iota3A_253 : vector<1024x1xi32> to vector<1024x1024xi32>
    %lt3A_262 = vector.broadcast %iota3A_254 : vector<1x1024xi32> to vector<1024x1024xi32>
    %lt3A_263 = arith.cmpi slt, %lt3A_261, %lt3A_262 : vector<1024x1024xi32>
    %and3A_264 = arith.andi %eq3A_260, %lt3A_263 : vector<1024x1024xi1>
    %or3A_265 = arith.ori %gt3A_257, %and3A_264 : vector<1024x1024xi1>
    %convert_element_type3A_266 = arith.extui %or3A_265 : vector<1024x1024xi1> to vector<1024x1024xi32>
    %convert_element_type3A_267 = arith.sitofp %convert_element_type3A_266 : vector<1024x1024xi32> to vector<1024x1024xf32>
    %broadcast_in_dim3A_268 = arith.constant 1.000000e+00 : f32
    %broadcast_in_dim3A_269 = vector.broadcast %broadcast_in_dim3A_268 : f32 to vector<1x1024xf32>
    %dot_general3A_270 = arith.constant dense<0.000000e+00> : vector<1x1024xf32>
    %dot_general3A_271 = tpu.matmul %broadcast_in_dim3A_269, %convert_element_type3A_267, %dot_general3A_270 {dimension_numbers = #tpu.dot_dimension_numbers<[1], [0], [0], [1], [0, 0, 1, 1], [], []>, transpose_lhs_hint = false} : vector<1x1024xf32>, vector<1024x1024xf32>, vector<1x1024xf32> -> vector<1x1024xf32>
    %convert_element_type3A_272 = arith.fptosi %dot_general3A_271 : vector<1x1024xf32> to vector<1x1024xi32>
    %iota3A_273 = tpu.iota {dimensions = array<i32: 0>} : vector<64x1024xi32>
    %eq3A_274 = vector.broadcast %convert_element_type3A_272 : vector<1x1024xi32> to vector<64x1024xi32>
    %eq3A_275 = arith.cmpi eq, %iota3A_273, %eq3A_274 : vector<64x1024xi32>
    %convert_element_type3A_276 = arith.extui %eq3A_275 : vector<64x1024xi1> to vector<64x1024xi32>
    %iota3A_277 = tpu.iota {dimensions = array<i32: 1>} : vector<64x1024xi32>
    %add3A_278 = vector.broadcast %mul3A_220 : i32 to vector<64x1024xi32>
    %add3A_279 = arith.addi %iota3A_277, %add3A_278 : vector<64x1024xi32>
    %mul3A_280 = arith.muli %convert_element_type3A_276, %add3A_279 : vector<64x1024xi32>
    %reduce_sum3A_281 = arith.constant dense<0> : vector<64xi32>
    %reduce_sum3A_282 = vector.multi_reduction <add>, %mul3A_280, %reduce_sum3A_281 [1] : vector<64x1024xi32> to vector<64xi32>
    %broadcast_in_dim3A_283 = vector.shape_cast %reduce_sum3A_282 : vector<64xi32> to vector<64x1xi32>
    %swap3A_284 = arith.constant 3 : index
    %swap3A_285 = arith.constant 0 : index
    %swap3A_286 = arith.constant 0 : index
    %swap3A_287 = vector.load %arg3[%swap3A_284, %swap3A_285, %swap3A_286] : memref<8x64x1xi32, #tpu.memory_space<vmem>>, vector<1x64x1xi32>
    %swap3A_288 = vector.shape_cast %swap3A_287 : vector<1x64x1xi32> to vector<64x1xi32>
    %swap3A_289 = vector.shape_cast %broadcast_in_dim3A_283 : vector<64x1xi32> to vector<1x64x1xi32>
    tpu.vector_store %arg3[%swap3A_284, %swap3A_285, %swap3A_286], %swap3A_289 {strides = array<i32>} : memref<8x64x1xi32, #tpu.memory_space<vmem>>, vector<1x64x1xi32>,
    %mul3A_290 = arith.constant 8 : i32
    %mul3A_291 = arith.muli %arg0, %mul3A_290 : i32
    %add3A_292 = arith.constant 0 : i32
    %add3A_293 = arith.addi %add3A_292, %mul3A_291 : i32
    %add3A_294 = arith.constant 4 : i32
    %add3A_295 = arith.addi %add3A_293, %add3A_294 : i32
    %mul3A_296 = arith.constant 1024 : i32
    %mul3A_297 = arith.muli %add3A_295, %mul3A_296 : i32
    %get3A_298 = arith.constant 4 : index
    %get3A_299 = arith.constant 0 : index
    %get3A_300 = arith.constant 0 : index
    %get3A_301 = vector.load %arg1[%get3A_298, %get3A_299, %get3A_300] : memref<8x1024x256xf32, #tpu.memory_space<vmem>>, vector<1x1024x256xf32>
    %get3A_302 = vector.shape_cast %get3A_301 : vector<1x1024x256xf32> to vector<1024x256xf32>
    %dot_general3A_303 = arith.constant dense<0.000000e+00> : vector<1024x8xf32>
    %dot_general3A_304 = tpu.matmul %get3A_302, %get3A_1, %dot_general3A_303 {dimension_numbers = #tpu.dot_dimension_numbers<[1], [0], [0], [1], [0, 0, 1, 1], [], []>, transpose_lhs_hint = false} : vector<1024x256xf32>, vector<256x8xf32>, vector<1024x8xf32> -> vector<1024x8xf32>
    %slice3A_305 = vector.extract_strided_slice %dot_general3A_304 {offsets = [0, 0], sizes = [1024, 4], strides = [1, 1]} : vector<1024x8xf32> to vector<1024x4xf32>
    %slice3A_306 = vector.extract_strided_slice %dot_general3A_304 {offsets = [0, 4], sizes = [1024, 4], strides = [1, 1]} : vector<1024x8xf32> to vector<1024x4xf32>
    %dot_general3A_307 = arith.constant dense<0.000000e+00> : vector<1024x1024xf32>
    %dot_general3A_308 = tpu.matmul %slice3A_305, %slice3A_306, %dot_general3A_307 {dimension_numbers = #tpu.dot_dimension_numbers<[1], [1], [0], [0], [0, 0, 1, 0], [], []>, transpose_lhs_hint = false} : vector<1024x4xf32>, vector<1024x4xf32>, vector<1024x1024xf32> -> vector<1024x1024xf32>
    %sqrt3A_309 = arith.constant 2.560000e+02 : f32
    %sqrt3A_310 = math.sqrt %sqrt3A_309 : f32
    %div3A_311 = arith.constant 1.000000e+00 : f32
    %div3A_312 = arith.divf %div3A_311, %sqrt3A_310 : f32
    %reduce_max3A_313 = arith.constant dense<0xFF800000> : vector<1024xf32>
    %reduce_max3A_314 = vector.multi_reduction <maximumf>, %dot_general3A_308, %reduce_max3A_313 [1] : vector<1024x1024xf32> to vector<1024xf32>
    %broadcast_in_dim3A_315 = vector.shape_cast %reduce_max3A_314 : vector<1024xf32> to vector<1024x1xf32>
    %sub3A_316 = vector.broadcast %broadcast_in_dim3A_315 : vector<1024x1xf32> to vector<1024x1024xf32>
    %sub3A_317 = arith.subf %dot_general3A_308, %sub3A_316 : vector<1024x1024xf32>
    %mul3A_318 = vector.broadcast %div3A_312 : f32 to vector<1024x1024xf32>
    %mul3A_319 = arith.mulf %mul3A_318, %sub3A_317 : vector<1024x1024xf32>
    %exp3A_320 = math.exp %mul3A_319 : vector<1024x1024xf32>
    %reduce_sum3A_321 = arith.constant dense<0.000000e+00> : vector<1024xf32>
    %reduce_sum3A_322 = vector.multi_reduction <add>, %exp3A_320, %reduce_sum3A_321 [1] : vector<1024x1024xf32> to vector<1024xf32>
    %broadcast_in_dim3A_323 = vector.shape_cast %reduce_sum3A_322 : vector<1024xf32> to vector<1024x1xf32>
    %div3A_324 = vector.broadcast %broadcast_in_dim3A_323 : vector<1024x1xf32> to vector<1024x1024xf32>
    %div3A_325 = arith.divf %exp3A_320, %div3A_324 : vector<1024x1024xf32>
    %reduce_sum3A_326 = arith.constant dense<0.000000e+00> : vector<1024xf32>
    %reduce_sum3A_327 = vector.multi_reduction <add>, %div3A_325, %reduce_sum3A_326 [0] : vector<1024x1024xf32> to vector<1024xf32>
    %broadcast_in_dim3A_328 = vector.shape_cast %reduce_sum3A_327 : vector<1024xf32> to vector<1x1024xf32>
    %transpose3A_329 = tpu.transpose %broadcast_in_dim3A_328, [1, 0] : vector<1x1024xf32> -> vector<1024x1xf32>
    %iota3A_330 = tpu.iota {dimensions = array<i32: 0>} : vector<1024x1xi32>
    %iota3A_331 = tpu.iota {dimensions = array<i32: 1>} : vector<1x1024xi32>
    %gt3A_332 = vector.broadcast %transpose3A_329 : vector<1024x1xf32> to vector<1024x1024xf32>
    %gt3A_333 = vector.broadcast %broadcast_in_dim3A_328 : vector<1x1024xf32> to vector<1024x1024xf32>
    %gt3A_334 = arith.cmpf ogt, %gt3A_332, %gt3A_333 : vector<1024x1024xf32>
    %eq3A_335 = vector.broadcast %transpose3A_329 : vector<1024x1xf32> to vector<1024x1024xf32>
    %eq3A_336 = vector.broadcast %broadcast_in_dim3A_328 : vector<1x1024xf32> to vector<1024x1024xf32>
    %eq3A_337 = arith.cmpf oeq, %eq3A_335, %eq3A_336 : vector<1024x1024xf32>
    %lt3A_338 = vector.broadcast %iota3A_330 : vector<1024x1xi32> to vector<1024x1024xi32>
    %lt3A_339 = vector.broadcast %iota3A_331 : vector<1x1024xi32> to vector<1024x1024xi32>
    %lt3A_340 = arith.cmpi slt, %lt3A_338, %lt3A_339 : vector<1024x1024xi32>
    %and3A_341 = arith.andi %eq3A_337, %lt3A_340 : vector<1024x1024xi1>
    %or3A_342 = arith.ori %gt3A_334, %and3A_341 : vector<1024x1024xi1>
    %convert_element_type3A_343 = arith.extui %or3A_342 : vector<1024x1024xi1> to vector<1024x1024xi32>
    %convert_element_type3A_344 = arith.sitofp %convert_element_type3A_343 : vector<1024x1024xi32> to vector<1024x1024xf32>
    %broadcast_in_dim3A_345 = arith.constant 1.000000e+00 : f32
    %broadcast_in_dim3A_346 = vector.broadcast %broadcast_in_dim3A_345 : f32 to vector<1x1024xf32>
    %dot_general3A_347 = arith.constant dense<0.000000e+00> : vector<1x1024xf32>
    %dot_general3A_348 = tpu.matmul %broadcast_in_dim3A_346, %convert_element_type3A_344, %dot_general3A_347 {dimension_numbers = #tpu.dot_dimension_numbers<[1], [0], [0], [1], [0, 0, 1, 1], [], []>, transpose_lhs_hint = false} : vector<1x1024xf32>, vector<1024x1024xf32>, vector<1x1024xf32> -> vector<1x1024xf32>
    %convert_element_type3A_349 = arith.fptosi %dot_general3A_348 : vector<1x1024xf32> to vector<1x1024xi32>
    %iota3A_350 = tpu.iota {dimensions = array<i32: 0>} : vector<64x1024xi32>
    %eq3A_351 = vector.broadcast %convert_element_type3A_349 : vector<1x1024xi32> to vector<64x1024xi32>
    %eq3A_352 = arith.cmpi eq, %iota3A_350, %eq3A_351 : vector<64x1024xi32>
    %convert_element_type3A_353 = arith.extui %eq3A_352 : vector<64x1024xi1> to vector<64x1024xi32>
    %iota3A_354 = tpu.iota {dimensions = array<i32: 1>} : vector<64x1024xi32>
    %add3A_355 = vector.broadcast %mul3A_297 : i32 to vector<64x1024xi32>
    %add3A_356 = arith.addi %iota3A_354, %add3A_355 : vector<64x1024xi32>
    %mul3A_357 = arith.muli %convert_element_type3A_353, %add3A_356 : vector<64x1024xi32>
    %reduce_sum3A_358 = arith.constant dense<0> : vector<64xi32>
    %reduce_sum3A_359 = vector.multi_reduction <add>, %mul3A_357, %reduce_sum3A_358 [1] : vector<64x1024xi32> to vector<64xi32>
    %broadcast_in_dim3A_360 = vector.shape_cast %reduce_sum3A_359 : vector<64xi32> to vector<64x1xi32>
    %swap3A_361 = arith.constant 4 : index
    %swap3A_362 = arith.constant 0 : index
    %swap3A_363 = arith.constant 0 : index
    %swap3A_364 = vector.load %arg3[%swap3A_361, %swap3A_362, %swap3A_363] : memref<8x64x1xi32, #tpu.memory_space<vmem>>, vector<1x64x1xi32>
    %swap3A_365 = vector.shape_cast %swap3A_364 : vector<1x64x1xi32> to vector<64x1xi32>
    %swap3A_366 = vector.shape_cast %broadcast_in_dim3A_360 : vector<64x1xi32> to vector<1x64x1xi32>
    tpu.vector_store %arg3[%swap3A_361, %swap3A_362, %swap3A_363], %swap3A_366 {strides = array<i32>} : memref<8x64x1xi32, #tpu.memory_space<vmem>>, vector<1x64x1xi32>,
    %mul3A_367 = arith.constant 8 : i32
    %mul3A_368 = arith.muli %arg0, %mul3A_367 : i32
    %add3A_369 = arith.constant 0 : i32
    %add3A_370 = arith.addi %add3A_369, %mul3A_368 : i32
    %add3A_371 = arith.constant 5 : i32
    %add3A_372 = arith.addi %add3A_370, %add3A_371 : i32
    %mul3A_373 = arith.constant 1024 : i32
    %mul3A_374 = arith.muli %add3A_372, %mul3A_373 : i32
    %get3A_375 = arith.constant 5 : index
    %get3A_376 = arith.constant 0 : index
    %get3A_377 = arith.constant 0 : index
    %get3A_378 = vector.load %arg1[%get3A_375, %get3A_376, %get3A_377] : memref<8x1024x256xf32, #tpu.memory_space<vmem>>, vector<1x1024x256xf32>
    %get3A_379 = vector.shape_cast %get3A_378 : vector<1x1024x256xf32> to vector<1024x256xf32>
    %dot_general3A_380 = arith.constant dense<0.000000e+00> : vector<1024x8xf32>
    %dot_general3A_381 = tpu.matmul %get3A_379, %get3A_1, %dot_general3A_380 {dimension_numbers = #tpu.dot_dimension_numbers<[1], [0], [0], [1], [0, 0, 1, 1], [], []>, transpose_lhs_hint = false} : vector<1024x256xf32>, vector<256x8xf32>, vector<1024x8xf32> -> vector<1024x8xf32>
    %slice3A_382 = vector.extract_strided_slice %dot_general3A_381 {offsets = [0, 0], sizes = [1024, 4], strides = [1, 1]} : vector<1024x8xf32> to vector<1024x4xf32>
    %slice3A_383 = vector.extract_strided_slice %dot_general3A_381 {offsets = [0, 4], sizes = [1024, 4], strides = [1, 1]} : vector<1024x8xf32> to vector<1024x4xf32>
    %dot_general3A_384 = arith.constant dense<0.000000e+00> : vector<1024x1024xf32>
    %dot_general3A_385 = tpu.matmul %slice3A_382, %slice3A_383, %dot_general3A_384 {dimension_numbers = #tpu.dot_dimension_numbers<[1], [1], [0], [0], [0, 0, 1, 0], [], []>, transpose_lhs_hint = false} : vector<1024x4xf32>, vector<1024x4xf32>, vector<1024x1024xf32> -> vector<1024x1024xf32>
    %sqrt3A_386 = arith.constant 2.560000e+02 : f32
    %sqrt3A_387 = math.sqrt %sqrt3A_386 : f32
    %div3A_388 = arith.constant 1.000000e+00 : f32
    %div3A_389 = arith.divf %div3A_388, %sqrt3A_387 : f32
    %reduce_max3A_390 = arith.constant dense<0xFF800000> : vector<1024xf32>
    %reduce_max3A_391 = vector.multi_reduction <maximumf>, %dot_general3A_385, %reduce_max3A_390 [1] : vector<1024x1024xf32> to vector<1024xf32>
    %broadcast_in_dim3A_392 = vector.shape_cast %reduce_max3A_391 : vector<1024xf32> to vector<1024x1xf32>
    %sub3A_393 = vector.broadcast %broadcast_in_dim3A_392 : vector<1024x1xf32> to vector<1024x1024xf32>
    %sub3A_394 = arith.subf %dot_general3A_385, %sub3A_393 : vector<1024x1024xf32>
    %mul3A_395 = vector.broadcast %div3A_389 : f32 to vector<1024x1024xf32>
    %mul3A_396 = arith.mulf %mul3A_395, %sub3A_394 : vector<1024x1024xf32>
    %exp3A_397 = math.exp %mul3A_396 : vector<1024x1024xf32>
    %reduce_sum3A_398 = arith.constant dense<0.000000e+00> : vector<1024xf32>
    %reduce_sum3A_399 = vector.multi_reduction <add>, %exp3A_397, %reduce_sum3A_398 [1] : vector<1024x1024xf32> to vector<1024xf32>
    %broadcast_in_dim3A_400 = vector.shape_cast %reduce_sum3A_399 : vector<1024xf32> to vector<1024x1xf32>
    %div3A_401 = vector.broadcast %broadcast_in_dim3A_400 : vector<1024x1xf32> to vector<1024x1024xf32>
    %div3A_402 = arith.divf %exp3A_397, %div3A_401 : vector<1024x1024xf32>
    %reduce_sum3A_403 = arith.constant dense<0.000000e+00> : vector<1024xf32>
    %reduce_sum3A_404 = vector.multi_reduction <add>, %div3A_402, %reduce_sum3A_403 [0] : vector<1024x1024xf32> to vector<1024xf32>
    %broadcast_in_dim3A_405 = vector.shape_cast %reduce_sum3A_404 : vector<1024xf32> to vector<1x1024xf32>
    %transpose3A_406 = tpu.transpose %broadcast_in_dim3A_405, [1, 0] : vector<1x1024xf32> -> vector<1024x1xf32>
    %iota3A_407 = tpu.iota {dimensions = array<i32: 0>} : vector<1024x1xi32>
    %iota3A_408 = tpu.iota {dimensions = array<i32: 1>} : vector<1x1024xi32>
    %gt3A_409 = vector.broadcast %transpose3A_406 : vector<1024x1xf32> to vector<1024x1024xf32>
    %gt3A_410 = vector.broadcast %broadcast_in_dim3A_405 : vector<1x1024xf32> to vector<1024x1024xf32>
    %gt3A_411 = arith.cmpf ogt, %gt3A_409, %gt3A_410 : vector<1024x1024xf32>
    %eq3A_412 = vector.broadcast %transpose3A_406 : vector<1024x1xf32> to vector<1024x1024xf32>
    %eq3A_413 = vector.broadcast %broadcast_in_dim3A_405 : vector<1x1024xf32> to vector<1024x1024xf32>
    %eq3A_414 = arith.cmpf oeq, %eq3A_412, %eq3A_413 : vector<1024x1024xf32>
    %lt3A_415 = vector.broadcast %iota3A_407 : vector<1024x1xi32> to vector<1024x1024xi32>
    %lt3A_416 = vector.broadcast %iota3A_408 : vector<1x1024xi32> to vector<1024x1024xi32>
    %lt3A_417 = arith.cmpi slt, %lt3A_415, %lt3A_416 : vector<1024x1024xi32>
    %and3A_418 = arith.andi %eq3A_414, %lt3A_417 : vector<1024x1024xi1>
    %or3A_419 = arith.ori %gt3A_411, %and3A_418 : vector<1024x1024xi1>
    %convert_element_type3A_420 = arith.extui %or3A_419 : vector<1024x1024xi1> to vector<1024x1024xi32>
    %convert_element_type3A_421 = arith.sitofp %convert_element_type3A_420 : vector<1024x1024xi32> to vector<1024x1024xf32>
    %broadcast_in_dim3A_422 = arith.constant 1.000000e+00 : f32
    %broadcast_in_dim3A_423 = vector.broadcast %broadcast_in_dim3A_422 : f32 to vector<1x1024xf32>
    %dot_general3A_424 = arith.constant dense<0.000000e+00> : vector<1x1024xf32>
    %dot_general3A_425 = tpu.matmul %broadcast_in_dim3A_423, %convert_element_type3A_421, %dot_general3A_424 {dimension_numbers = #tpu.dot_dimension_numbers<[1], [0], [0], [1], [0, 0, 1, 1], [], []>, transpose_lhs_hint = false} : vector<1x1024xf32>, vector<1024x1024xf32>, vector<1x1024xf32> -> vector<1x1024xf32>
    %convert_element_type3A_426 = arith.fptosi %dot_general3A_425 : vector<1x1024xf32> to vector<1x1024xi32>
    %iota3A_427 = tpu.iota {dimensions = array<i32: 0>} : vector<64x1024xi32>
    %eq3A_428 = vector.broadcast %convert_element_type3A_426 : vector<1x1024xi32> to vector<64x1024xi32>
    %eq3A_429 = arith.cmpi eq, %iota3A_427, %eq3A_428 : vector<64x1024xi32>
    %convert_element_type3A_430 = arith.extui %eq3A_429 : vector<64x1024xi1> to vector<64x1024xi32>
    %iota3A_431 = tpu.iota {dimensions = array<i32: 1>} : vector<64x1024xi32>
    %add3A_432 = vector.broadcast %mul3A_374 : i32 to vector<64x1024xi32>
    %add3A_433 = arith.addi %iota3A_431, %add3A_432 : vector<64x1024xi32>
    %mul3A_434 = arith.muli %convert_element_type3A_430, %add3A_433 : vector<64x1024xi32>
    %reduce_sum3A_435 = arith.constant dense<0> : vector<64xi32>
    %reduce_sum3A_436 = vector.multi_reduction <add>, %mul3A_434, %reduce_sum3A_435 [1] : vector<64x1024xi32> to vector<64xi32>
    %broadcast_in_dim3A_437 = vector.shape_cast %reduce_sum3A_436 : vector<64xi32> to vector<64x1xi32>
    %swap3A_438 = arith.constant 5 : index
    %swap3A_439 = arith.constant 0 : index
    %swap3A_440 = arith.constant 0 : index
    %swap3A_441 = vector.load %arg3[%swap3A_438, %swap3A_439, %swap3A_440] : memref<8x64x1xi32, #tpu.memory_space<vmem>>, vector<1x64x1xi32>
    %swap3A_442 = vector.shape_cast %swap3A_441 : vector<1x64x1xi32> to vector<64x1xi32>
    %swap3A_443 = vector.shape_cast %broadcast_in_dim3A_437 : vector<64x1xi32> to vector<1x64x1xi32>
    tpu.vector_store %arg3[%swap3A_438, %swap3A_439, %swap3A_440], %swap3A_443 {strides = array<i32>} : memref<8x64x1xi32, #tpu.memory_space<vmem>>, vector<1x64x1xi32>,
    %mul3A_444 = arith.constant 8 : i32
    %mul3A_445 = arith.muli %arg0, %mul3A_444 : i32
    %add3A_446 = arith.constant 0 : i32
    %add3A_447 = arith.addi %add3A_446, %mul3A_445 : i32
    %add3A_448 = arith.constant 6 : i32
    %add3A_449 = arith.addi %add3A_447, %add3A_448 : i32
    %mul3A_450 = arith.constant 1024 : i32
    %mul3A_451 = arith.muli %add3A_449, %mul3A_450 : i32
    %get3A_452 = arith.constant 6 : index
    %get3A_453 = arith.constant 0 : index
    %get3A_454 = arith.constant 0 : index
    %get3A_455 = vector.load %arg1[%get3A_452, %get3A_453, %get3A_454] : memref<8x1024x256xf32, #tpu.memory_space<vmem>>, vector<1x1024x256xf32>
    %get3A_456 = vector.shape_cast %get3A_455 : vector<1x1024x256xf32> to vector<1024x256xf32>
    %dot_general3A_457 = arith.constant dense<0.000000e+00> : vector<1024x8xf32>
    %dot_general3A_458 = tpu.matmul %get3A_456, %get3A_1, %dot_general3A_457 {dimension_numbers = #tpu.dot_dimension_numbers<[1], [0], [0], [1], [0, 0, 1, 1], [], []>, transpose_lhs_hint = false} : vector<1024x256xf32>, vector<256x8xf32>, vector<1024x8xf32> -> vector<1024x8xf32>
    %slice3A_459 = vector.extract_strided_slice %dot_general3A_458 {offsets = [0, 0], sizes = [1024, 4], strides = [1, 1]} : vector<1024x8xf32> to vector<1024x4xf32>
    %slice3A_460 = vector.extract_strided_slice %dot_general3A_458 {offsets = [0, 4], sizes = [1024, 4], strides = [1, 1]} : vector<1024x8xf32> to vector<1024x4xf32>
    %dot_general3A_461 = arith.constant dense<0.000000e+00> : vector<1024x1024xf32>
    %dot_general3A_462 = tpu.matmul %slice3A_459, %slice3A_460, %dot_general3A_461 {dimension_numbers = #tpu.dot_dimension_numbers<[1], [1], [0], [0], [0, 0, 1, 0], [], []>, transpose_lhs_hint = false} : vector<1024x4xf32>, vector<1024x4xf32>, vector<1024x1024xf32> -> vector<1024x1024xf32>
    %sqrt3A_463 = arith.constant 2.560000e+02 : f32
    %sqrt3A_464 = math.sqrt %sqrt3A_463 : f32
    %div3A_465 = arith.constant 1.000000e+00 : f32
    %div3A_466 = arith.divf %div3A_465, %sqrt3A_464 : f32
    %reduce_max3A_467 = arith.constant dense<0xFF800000> : vector<1024xf32>
    %reduce_max3A_468 = vector.multi_reduction <maximumf>, %dot_general3A_462, %reduce_max3A_467 [1] : vector<1024x1024xf32> to vector<1024xf32>
    %broadcast_in_dim3A_469 = vector.shape_cast %reduce_max3A_468 : vector<1024xf32> to vector<1024x1xf32>
    %sub3A_470 = vector.broadcast %broadcast_in_dim3A_469 : vector<1024x1xf32> to vector<1024x1024xf32>
    %sub3A_471 = arith.subf %dot_general3A_462, %sub3A_470 : vector<1024x1024xf32>
    %mul3A_472 = vector.broadcast %div3A_466 : f32 to vector<1024x1024xf32>
    %mul3A_473 = arith.mulf %mul3A_472, %sub3A_471 : vector<1024x1024xf32>
    %exp3A_474 = math.exp %mul3A_473 : vector<1024x1024xf32>
    %reduce_sum3A_475 = arith.constant dense<0.000000e+00> : vector<1024xf32>
    %reduce_sum3A_476 = vector.multi_reduction <add>, %exp3A_474, %reduce_sum3A_475 [1] : vector<1024x1024xf32> to vector<1024xf32>
    %broadcast_in_dim3A_477 = vector.shape_cast %reduce_sum3A_476 : vector<1024xf32> to vector<1024x1xf32>
    %div3A_478 = vector.broadcast %broadcast_in_dim3A_477 : vector<1024x1xf32> to vector<1024x1024xf32>
    %div3A_479 = arith.divf %exp3A_474, %div3A_478 : vector<1024x1024xf32>
    %reduce_sum3A_480 = arith.constant dense<0.000000e+00> : vector<1024xf32>
    %reduce_sum3A_481 = vector.multi_reduction <add>, %div3A_479, %reduce_sum3A_480 [0] : vector<1024x1024xf32> to vector<1024xf32>
    %broadcast_in_dim3A_482 = vector.shape_cast %reduce_sum3A_481 : vector<1024xf32> to vector<1x1024xf32>
    %transpose3A_483 = tpu.transpose %broadcast_in_dim3A_482, [1, 0] : vector<1x1024xf32> -> vector<1024x1xf32>
    %iota3A_484 = tpu.iota {dimensions = array<i32: 0>} : vector<1024x1xi32>
    %iota3A_485 = tpu.iota {dimensions = array<i32: 1>} : vector<1x1024xi32>
    %gt3A_486 = vector.broadcast %transpose3A_483 : vector<1024x1xf32> to vector<1024x1024xf32>
    %gt3A_487 = vector.broadcast %broadcast_in_dim3A_482 : vector<1x1024xf32> to vector<1024x1024xf32>
    %gt3A_488 = arith.cmpf ogt, %gt3A_486, %gt3A_487 : vector<1024x1024xf32>
    %eq3A_489 = vector.broadcast %transpose3A_483 : vector<1024x1xf32> to vector<1024x1024xf32>
    %eq3A_490 = vector.broadcast %broadcast_in_dim3A_482 : vector<1x1024xf32> to vector<1024x1024xf32>
    %eq3A_491 = arith.cmpf oeq, %eq3A_489, %eq3A_490 : vector<1024x1024xf32>
    %lt3A_492 = vector.broadcast %iota3A_484 : vector<1024x1xi32> to vector<1024x1024xi32>
    %lt3A_493 = vector.broadcast %iota3A_485 : vector<1x1024xi32> to vector<1024x1024xi32>
    %lt3A_494 = arith.cmpi slt, %lt3A_492, %lt3A_493 : vector<1024x1024xi32>
    %and3A_495 = arith.andi %eq3A_491, %lt3A_494 : vector<1024x1024xi1>
    %or3A_496 = arith.ori %gt3A_488, %and3A_495 : vector<1024x1024xi1>
    %convert_element_type3A_497 = arith.extui %or3A_496 : vector<1024x1024xi1> to vector<1024x1024xi32>
    %convert_element_type3A_498 = arith.sitofp %convert_element_type3A_497 : vector<1024x1024xi32> to vector<1024x1024xf32>
    %broadcast_in_dim3A_499 = arith.constant 1.000000e+00 : f32
    %broadcast_in_dim3A_500 = vector.broadcast %broadcast_in_dim3A_499 : f32 to vector<1x1024xf32>
    %dot_general3A_501 = arith.constant dense<0.000000e+00> : vector<1x1024xf32>
    %dot_general3A_502 = tpu.matmul %broadcast_in_dim3A_500, %convert_element_type3A_498, %dot_general3A_501 {dimension_numbers = #tpu.dot_dimension_numbers<[1], [0], [0], [1], [0, 0, 1, 1], [], []>, transpose_lhs_hint = false} : vector<1x1024xf32>, vector<1024x1024xf32>, vector<1x1024xf32> -> vector<1x1024xf32>
    %convert_element_type3A_503 = arith.fptosi %dot_general3A_502 : vector<1x1024xf32> to vector<1x1024xi32>
    %iota3A_504 = tpu.iota {dimensions = array<i32: 0>} : vector<64x1024xi32>
    %eq3A_505 = vector.broadcast %convert_element_type3A_503 : vector<1x1024xi32> to vector<64x1024xi32>
    %eq3A_506 = arith.cmpi eq, %iota3A_504, %eq3A_505 : vector<64x1024xi32>
    %convert_element_type3A_507 = arith.extui %eq3A_506 : vector<64x1024xi1> to vector<64x1024xi32>
    %iota3A_508 = tpu.iota {dimensions = array<i32: 1>} : vector<64x1024xi32>
    %add3A_509 = vector.broadcast %mul3A_451 : i32 to vector<64x1024xi32>
    %add3A_510 = arith.addi %iota3A_508, %add3A_509 : vector<64x1024xi32>
    %mul3A_511 = arith.muli %convert_element_type3A_507, %add3A_510 : vector<64x1024xi32>
    %reduce_sum3A_512 = arith.constant dense<0> : vector<64xi32>
    %reduce_sum3A_513 = vector.multi_reduction <add>, %mul3A_511, %reduce_sum3A_512 [1] : vector<64x1024xi32> to vector<64xi32>
    %broadcast_in_dim3A_514 = vector.shape_cast %reduce_sum3A_513 : vector<64xi32> to vector<64x1xi32>
    %swap3A_515 = arith.constant 6 : index
    %swap3A_516 = arith.constant 0 : index
    %swap3A_517 = arith.constant 0 : index
    %swap3A_518 = vector.load %arg3[%swap3A_515, %swap3A_516, %swap3A_517] : memref<8x64x1xi32, #tpu.memory_space<vmem>>, vector<1x64x1xi32>
    %swap3A_519 = vector.shape_cast %swap3A_518 : vector<1x64x1xi32> to vector<64x1xi32>
    %swap3A_520 = vector.shape_cast %broadcast_in_dim3A_514 : vector<64x1xi32> to vector<1x64x1xi32>
    tpu.vector_store %arg3[%swap3A_515, %swap3A_516, %swap3A_517], %swap3A_520 {strides = array<i32>} : memref<8x64x1xi32, #tpu.memory_space<vmem>>, vector<1x64x1xi32>,
    %mul3A_521 = arith.constant 8 : i32
    %mul3A_522 = arith.muli %arg0, %mul3A_521 : i32
    %add3A_523 = arith.constant 0 : i32
    %add3A_524 = arith.addi %add3A_523, %mul3A_522 : i32
    %add3A_525 = arith.constant 7 : i32
    %add3A_526 = arith.addi %add3A_524, %add3A_525 : i32
    %mul3A_527 = arith.constant 1024 : i32
    %mul3A_528 = arith.muli %add3A_526, %mul3A_527 : i32
    %get3A_529 = arith.constant 7 : index
    %get3A_530 = arith.constant 0 : index
    %get3A_531 = arith.constant 0 : index
    %get3A_532 = vector.load %arg1[%get3A_529, %get3A_530, %get3A_531] : memref<8x1024x256xf32, #tpu.memory_space<vmem>>, vector<1x1024x256xf32>
    %get3A_533 = vector.shape_cast %get3A_532 : vector<1x1024x256xf32> to vector<1024x256xf32>
    %dot_general3A_534 = arith.constant dense<0.000000e+00> : vector<1024x8xf32>
    %dot_general3A_535 = tpu.matmul %get3A_533, %get3A_1, %dot_general3A_534 {dimension_numbers = #tpu.dot_dimension_numbers<[1], [0], [0], [1], [0, 0, 1, 1], [], []>, transpose_lhs_hint = false} : vector<1024x256xf32>, vector<256x8xf32>, vector<1024x8xf32> -> vector<1024x8xf32>
    %slice3A_536 = vector.extract_strided_slice %dot_general3A_535 {offsets = [0, 0], sizes = [1024, 4], strides = [1, 1]} : vector<1024x8xf32> to vector<1024x4xf32>
    %slice3A_537 = vector.extract_strided_slice %dot_general3A_535 {offsets = [0, 4], sizes = [1024, 4], strides = [1, 1]} : vector<1024x8xf32> to vector<1024x4xf32>
    %dot_general3A_538 = arith.constant dense<0.000000e+00> : vector<1024x1024xf32>
    %dot_general3A_539 = tpu.matmul %slice3A_536, %slice3A_537, %dot_general3A_538 {dimension_numbers = #tpu.dot_dimension_numbers<[1], [1], [0], [0], [0, 0, 1, 0], [], []>, transpose_lhs_hint = false} : vector<1024x4xf32>, vector<1024x4xf32>, vector<1024x1024xf32> -> vector<1024x1024xf32>
    %sqrt3A_540 = arith.constant 2.560000e+02 : f32
    %sqrt3A_541 = math.sqrt %sqrt3A_540 : f32
    %div3A_542 = arith.constant 1.000000e+00 : f32
    %div3A_543 = arith.divf %div3A_542, %sqrt3A_541 : f32
    %reduce_max3A_544 = arith.constant dense<0xFF800000> : vector<1024xf32>
    %reduce_max3A_545 = vector.multi_reduction <maximumf>, %dot_general3A_539, %reduce_max3A_544 [1] : vector<1024x1024xf32> to vector<1024xf32>
    %broadcast_in_dim3A_546 = vector.shape_cast %reduce_max3A_545 : vector<1024xf32> to vector<1024x1xf32>
    %sub3A_547 = vector.broadcast %broadcast_in_dim3A_546 : vector<1024x1xf32> to vector<1024x1024xf32>
    %sub3A_548 = arith.subf %dot_general3A_539, %sub3A_547 : vector<1024x1024xf32>
    %mul3A_549 = vector.broadcast %div3A_543 : f32 to vector<1024x1024xf32>
    %mul3A_550 = arith.mulf %mul3A_549, %sub3A_548 : vector<1024x1024xf32>
    %exp3A_551 = math.exp %mul3A_550 : vector<1024x1024xf32>
    %reduce_sum3A_552 = arith.constant dense<0.000000e+00> : vector<1024xf32>
    %reduce_sum3A_553 = vector.multi_reduction <add>, %exp3A_551, %reduce_sum3A_552 [1] : vector<1024x1024xf32> to vector<1024xf32>
    %broadcast_in_dim3A_554 = vector.shape_cast %reduce_sum3A_553 : vector<1024xf32> to vector<1024x1xf32>
    %div3A_555 = vector.broadcast %broadcast_in_dim3A_554 : vector<1024x1xf32> to vector<1024x1024xf32>
    %div3A_556 = arith.divf %exp3A_551, %div3A_555 : vector<1024x1024xf32>
    %reduce_sum3A_557 = arith.constant dense<0.000000e+00> : vector<1024xf32>
    %reduce_sum3A_558 = vector.multi_reduction <add>, %div3A_556, %reduce_sum3A_557 [0] : vector<1024x1024xf32> to vector<1024xf32>
    %broadcast_in_dim3A_559 = vector.shape_cast %reduce_sum3A_558 : vector<1024xf32> to vector<1x1024xf32>
    %transpose3A_560 = tpu.transpose %broadcast_in_dim3A_559, [1, 0] : vector<1x1024xf32> -> vector<1024x1xf32>
    %iota3A_561 = tpu.iota {dimensions = array<i32: 0>} : vector<1024x1xi32>
    %iota3A_562 = tpu.iota {dimensions = array<i32: 1>} : vector<1x1024xi32>
    %gt3A_563 = vector.broadcast %transpose3A_560 : vector<1024x1xf32> to vector<1024x1024xf32>
    %gt3A_564 = vector.broadcast %broadcast_in_dim3A_559 : vector<1x1024xf32> to vector<1024x1024xf32>
    %gt3A_565 = arith.cmpf ogt, %gt3A_563, %gt3A_564 : vector<1024x1024xf32>
    %eq3A_566 = vector.broadcast %transpose3A_560 : vector<1024x1xf32> to vector<1024x1024xf32>
    %eq3A_567 = vector.broadcast %broadcast_in_dim3A_559 : vector<1x1024xf32> to vector<1024x1024xf32>
    %eq3A_568 = arith.cmpf oeq, %eq3A_566, %eq3A_567 : vector<1024x1024xf32>
    %lt3A_569 = vector.broadcast %iota3A_561 : vector<1024x1xi32> to vector<1024x1024xi32>
    %lt3A_570 = vector.broadcast %iota3A_562 : vector<1x1024xi32> to vector<1024x1024xi32>
    %lt3A_571 = arith.cmpi slt, %lt3A_569, %lt3A_570 : vector<1024x1024xi32>
    %and3A_572 = arith.andi %eq3A_568, %lt3A_571 : vector<1024x1024xi1>
    %or3A_573 = arith.ori %gt3A_565, %and3A_572 : vector<1024x1024xi1>
    %convert_element_type3A_574 = arith.extui %or3A_573 : vector<1024x1024xi1> to vector<1024x1024xi32>
    %convert_element_type3A_575 = arith.sitofp %convert_element_type3A_574 : vector<1024x1024xi32> to vector<1024x1024xf32>
    %broadcast_in_dim3A_576 = arith.constant 1.000000e+00 : f32
    %broadcast_in_dim3A_577 = vector.broadcast %broadcast_in_dim3A_576 : f32 to vector<1x1024xf32>
    %dot_general3A_578 = arith.constant dense<0.000000e+00> : vector<1x1024xf32>
    %dot_general3A_579 = tpu.matmul %broadcast_in_dim3A_577, %convert_element_type3A_575, %dot_general3A_578 {dimension_numbers = #tpu.dot_dimension_numbers<[1], [0], [0], [1], [0, 0, 1, 1], [], []>, transpose_lhs_hint = false} : vector<1x1024xf32>, vector<1024x1024xf32>, vector<1x1024xf32> -> vector<1x1024xf32>
    %convert_element_type3A_580 = arith.fptosi %dot_general3A_579 : vector<1x1024xf32> to vector<1x1024xi32>
    %iota3A_581 = tpu.iota {dimensions = array<i32: 0>} : vector<64x1024xi32>
    %eq3A_582 = vector.broadcast %convert_element_type3A_580 : vector<1x1024xi32> to vector<64x1024xi32>
    %eq3A_583 = arith.cmpi eq, %iota3A_581, %eq3A_582 : vector<64x1024xi32>
    %convert_element_type3A_584 = arith.extui %eq3A_583 : vector<64x1024xi1> to vector<64x1024xi32>
    %iota3A_585 = tpu.iota {dimensions = array<i32: 1>} : vector<64x1024xi32>
    %add3A_586 = vector.broadcast %mul3A_528 : i32 to vector<64x1024xi32>
    %add3A_587 = arith.addi %iota3A_585, %add3A_586 : vector<64x1024xi32>
    %mul3A_588 = arith.muli %convert_element_type3A_584, %add3A_587 : vector<64x1024xi32>
    %reduce_sum3A_589 = arith.constant dense<0> : vector<64xi32>
    %reduce_sum3A_590 = vector.multi_reduction <add>, %mul3A_588, %reduce_sum3A_589 [1] : vector<64x1024xi32> to vector<64xi32>
    %broadcast_in_dim3A_591 = vector.shape_cast %reduce_sum3A_590 : vector<64xi32> to vector<64x1xi32>
    %swap3A_592 = arith.constant 7 : index
    %swap3A_593 = arith.constant 0 : index
    %swap3A_594 = arith.constant 0 : index
    %swap3A_595 = vector.load %arg3[%swap3A_592, %swap3A_593, %swap3A_594] : memref<8x64x1xi32, #tpu.memory_space<vmem>>, vector<1x64x1xi32>
    %swap3A_596 = vector.shape_cast %swap3A_595 : vector<1x64x1xi32> to vector<64x1xi32>
    %swap3A_597 = vector.shape_cast %broadcast_in_dim3A_591 : vector<64x1xi32> to vector<1x64x1xi32>
    tpu.vector_store %arg3[%swap3A_592, %swap3A_593, %swap3A_594], %swap3A_597 {strides = array<i32>} : memref<8x64x1xi32, #tpu.memory_space<vmem>>, vector<1x64x1xi32>,
    return
  }
  func.func @transform_0(%arg0: i32) -> (i32, i32, i32) {
    %c0_i32 = arith.constant 0 : i32
    %c0_i32_0 = arith.constant 0 : i32
    %c0_i32_1 = arith.constant 0 : i32
    return %arg0, %c0_i32, %c0_i32_0 : i32, i32, i32
  }
  func.func @transform_1(%arg0: i32) -> (i32, i32) {
    %c0_i32 = arith.constant 0 : i32
    %c0_i32_0 = arith.constant 0 : i32
    %c0_i32_1 = arith.constant 0 : i32
    return %c0_i32, %c0_i32_0 : i32, i32
  }
  func.func @transform_2(%arg0: i32) -> (i32, i32, i32) {
    %c0_i32 = arith.constant 0 : i32
    %c0_i32_0 = arith.constant 0 : i32
    %c0_i32_1 = arith.constant 0 : i32
    return %arg0, %c0_i32, %c0_i32_0 : i32, i32, i32
  }
}

</mosaic_0001>

<sc_bundles>
// kernel: kernel.4.cloned.1.call-start
scs
__scs_entry_jumppad:
0x0: {  	(pc) =	sbr.rel $0x88, $3  }
0x1: {  	(tag) =	ssettag $0x0;
	lr =	simm.s32 $0x1  }
0x2: {  	[smem:$0x3F9E] =	sst lr;
	_ =	strace $0xD0000000  }
0x3: {  	_ = 	snop  }
0x4: {  	_ = 	snop  }
0x5: {  	_ = 	snop  }
0x6: {  	_ = 	snop  }
0x7: {  	_ = 	snop  }
__scs_overlays_trampoline_lowered:
0x8: {  	[smem:$0x3FAD] =	sst s0  }
0x9: {  	[smem:$0x3FAE] =	sst s1  }
0xa: {  	[smem:$0x3FAF] =	sst s2  }
0xb: {  	[smem:$0x3FB0] =	sst s3  }
0xc: {  	[smem:$0x3FB1] =	sst s4  }
0xd: {  	[smem:$0x3FB2] =	sst s5  }
0xe: {  	[smem:$0x3FB3] =	sst s6  }
0xf: {  	[smem:$0x3FB4] =	sst s7  }
0x10: {  	[smem:$0x3FB5] =	sst s8  }
0x11: {  	[smem:$0x3FB6] =	sst s9;
	s0 =	simm.s32 @!p0 $0x0  }
0x12: {  	s1 =	sld [smem:$0x3F9C];
	s0 =	simm.s32 @p0 $0x1  }
0x13: {  	[smem:$0x3FB7] =	sst s0;
	s0 =	simm.s32 @!p1 $0x0  }
0x14: {  	s2 =	sld [smem:$0x3F9B];
	s0 =	simm.s32 @p1 $0x1  }
0x15: {  	[smem:$0x3FB8] =	sst s0;
	s0 =	simm.s32 @!p2 $0x0  }
0x16: {  	s3 =	sld [smem:$0x3FDB];
	s0 =	simm.s32 @p2 $0x1  }
0x17: {  	s4 =	simm.s32 $0x1BF5;
	[smem:$0x3FBA] =	sst s0  }
0x18: {  	s0 =	sld [smem:$0x3F9D];
	_ =	swait.ge [sflag:s4], $0x0  }
0x19: {  	s7 =	sld [smem:$0x3F9E]  }
0x1a: {  	s8 =	sadd.s32 $0xFFFFE003, lr  }
0x1b: {  	s9 =	sadd.s32 $0xFFFFFEF7, lr;
	s5 =	simm.s32 $0xFFFFFFFF;
	p2 =	slt.u32 s8, $0xFFFFF086  }
0x1c: {  	p1 =	slt.u32 s9, $0xF7A;
	s5 =	simm.s32 @!p2 $0x0  }
0x1d: {  	s5 =	simm.s32 @p1 $0x1;
	p0 =	seq.s32 s7, s2  }
0x1e: {  	s7 =	smul.u32 @!p0 $0xF7A, s2;
	p2 =	seq.s32 @!p0 s5, $0x0  }
0x1f: {  	s9 =	smul.u32 $0xF7A, s1;
	s8 =	simm.s32 @!p0 $0x1BF5;
	p2 =	por !p2, p0  }
0x20: {  	[sflag:s8] =	ssyncset.s32 @!p0 $0xFFFFF086;
	s6 =	sadd.s32 @!p0 s3, s7;
	s7 =	simm.s32 @!p0 $0x108  }
0x21: {  	s3 =	sadd.s32 s3, s9;
	s6 =	sadd.s32 @!p0 $0x88, s6;
	s7 =	simm.s32 @p2 $0x1082  }
0x22: {  	[simem:s7], [sflag:s8] =	dma.local @!p0 [hbm:s6], $0xF7A  }
0x23: {  	s9 =	sor.u32 $0xD0000000, s2;
	s6 =	simm.s32 $0x108;
	_ =	swait.ge @!p0 [sflag:s8], $0x0  }
0x24: {  	s3 =	sadd.s32 $0x88, s3;
	s6 =	simm.s32 @!p1 $0x1082;
	[sflag:s4] =	ssyncset.s32 $0xFFFFF086  }
0x25: {  	[simem:s6], [sflag:s4] =	dma.local [hbm:s3], $0xF7A  }
0x26: {  	[smem:$0x3F9E] =	sst s1;
	(tag) =	ssettag s2;
	_ =	strace s9  }
0x27: {  	s1 =	sld [smem:$0x3FAE]  }
0x28: {  	s2 =	sld [smem:$0x3FAF]  }
0x29: {  	s4 =	sld [smem:$0x3FB1]  }
0x2a: {  	p0 =	seq.s32 s5, $0x0;
	s5 =	sld [smem:$0x3FB2]  }
0x2b: {  	s6 =	sld [smem:$0x3FB3]  }
0x2c: {  	s7 =	sld [smem:$0x3FB4]  }
0x2d: {  	s3 =	simm.s32 $0x108;
	s8 =	sld [smem:$0x3FB5]  }
0x2e: {  	s3 =	simm.s32 @!p0 $0x1082;
	s9 =	sld [smem:$0x3FB6]  }
0x2f: {  	lr =	sadd.s32 s0, s3;
	s0 =	sld [smem:$0x3FAD]  }
0x30: {  	s3 =	sld [smem:$0x3FB0]  }
0x31: {  	[smem:$0x3FB9] =	sst s10  }
0x32: {  	s10 =	sld [smem:$0x3FB7];
	_ =	sdelay $0x3  }
0x33: {  	p0 =	seq.s32 s10, $0x1;
	s10 =	sld [smem:$0x3FB9];
	_ =	sdelay $0x3  }
0x34: {  	[smem:$0x3FB9] =	sst s10  }
0x35: {  	s10 =	sld [smem:$0x3FB8];
	_ =	sdelay $0x3  }
0x36: {  	p1 =	seq.s32 s10, $0x1;
	s10 =	sld [smem:$0x3FB9];
	_ =	sdelay $0x3  }
0x37: {  	[smem:$0x3FB9] =	sst s10  }
0x38: {  	s10 =	sld [smem:$0x3FBA]  }
0x39: {  	_ = 	snop;
	(pc) =	sbr.ind lr, $3  }
0x3a: {  	_ = 	snop  }
0x3b: {  	_ = 	snop  }
0x3c: {  	p2 =	seq.s32 s10, $0x1;
	s10 =	sld [smem:$0x3FB9]  }
0x3d: {  	_ =	shalt  }
0x3e: {  	_ =	shalt  }
0x3f: {  	_ =	shalt  }
0x40: {  	_ =	shalt  }
0x41: {  	_ =	shalt  }
0x42: {  	_ =	shalt  }
0x43: {  	_ =	shalt  }
0x44: {  	_ =	shalt  }
0x45: {  	_ =	shalt  }
0x46: {  	_ =	shalt  }
0x47: {  	_ =	shalt  }
0x48: {  	_ =	shalt  }
0x49: {  	_ =	shalt  }
0x4a: {  	_ =	shalt  }
0x4b: {  	_ =	shalt  }
0x4c: {  	_ =	shalt  }
0x4d: {  	_ =	shalt  }
0x4e: {  	_ =	shalt  }
0x4f: {  	_ =	shalt  }
0x50: {  	_ =	shalt  }
0x51: {  	_ =	shalt  }
0x52: {  	_ =	shalt  }
0x53: {  	_ =	shalt  }
0x54: {  	_ =	shalt  }
0x55: {  	_ =	shalt  }
0x56: {  	_ =	shalt  }
0x57: {  	_ =	shalt  }
0x58: {  	_ =	shalt  }
0x59: {  	_ =	shalt  }
0x5a: {  	_ =	shalt  }
0x5b: {  	_ =	shalt  }
0x5c: {  	_ =	shalt  }
0x5d: {  	_ =	shalt  }
0x5e: {  	_ =	shalt  }
0x5f: {  	_ =	shalt  }
0x60: {  	_ =	shalt  }
0x61: {  	_ =	shalt  }
0x62: {  	_ =	shalt  }
0x63: {  	_ =	shalt  }
0x64: {  	_ =	shalt  }
0x65: {  	_ =	shalt  }
0x66: {  	_ =	shalt  }
0x67: {  	_ =	shalt  }
0x68: {  	_ =	shalt  }
0x69: {  	_ =	shalt  }
0x6a: {  	_ =	shalt  }
0x6b: {  	_ =	shalt  }
0x6c: {  	_ =	shalt  }
0x6d: {  	_ =	shalt  }
0x6e: {  	_ =	shalt  }
0x6f: {  	_ =	shalt  }
0x70: {  	_ =	shalt  }
0x71: {  	_ =	shalt  }
0x72: {  	_ =	shalt  }
0x73: {  	_ =	shalt  }
0x74: {  	_ =	shalt  }
0x75: {  	_ =	shalt  }
0x76: {  	_ =	shalt  }
0x77: {  	_ =	shalt  }
0x78: {  	_ =	shalt  }
0x79: {  	_ =	shalt  }
0x7a: {  	_ =	shalt  }
0x7b: {  	_ =	shalt  }
0x7c: {  	_ =	shalt  }
0x7d: {  	_ =	shalt  }
0x7e: {  	_ =	shalt  }
0x7f: {  	_ =	shalt  }
0x80: {  	_ =	shalt  }
0x81: {  	_ =	shalt  }
0x82: {  	_ =	shalt  }
0x83: {  	_ =	shalt  }
0x84: {  	_ =	shalt  }
0x85: {  	_ =	shalt  }
0x86: {  	_ =	shalt  }
0x87: {  	_ =	shalt  }
.Lfunc_end0:
.L_simem_size_0:
called_computation_lowered:
.L_overlay_start_0:
0x88: {  	s2 =	sld [smem:$0x3FD9]  }
0x89: {  	s3 =	sld [smem:$0x3FFE];
	_ =	sdelay $0x1  }
0x8a: {  	s1 =	srdreg.scid  }
0x8b: {  	s0 =	sand.u32 $0x1, s1  }
0x8c: {  	s17 =	sshll.u32 s0, $0xA;
	s2 =	sadd.s32 s3, s2  }
0x8d: {  	s2 =	sadd.s32 s2, s17  }
0x8e: {  	[smem:$0x3FC5] =	sst s2  }
0x8f: {  	_ = 	snop  }
0x90: {  	s2 =	sld [smem:$0x3FC9]  }
0x91: {  	s18 =	sld [smem:$0x3FD0];
	(tm) =	ssettm $0x1  }
0x92: {  	s4 =	sld [smem:$0x3FFB];
	_ =	sdelay $0x3  }
0x93: {  	_ =	strace s4  }
0x94: {  	s4 =	sld [smem:$0x3FFC];
	_ =	sdelay $0x3  }
0x95: {  	_ =	strace s4  }
0x96: {  	s4 =	sld [smem:$0x3FFD];
	_ =	sdelay $0x3  }
0x97: {  	_ =	strace s4  }
0x98: {  	_ =	strace $0x8FFFFFFF  }
0x99: {  	s19 =	sld [smem:$0x3FDB];
	_ =	sdelay $0x1  }
0x9a: {  	s5 =	simm.s32 $_scs_section_size  }
0x9b: {  	s6 =	simm.s32 $_size__tile_overlayer_lowered;
	s7 =	simm.s32 $_tile_overlayer_lowered  }
0x9c: {  	s22 =	simm.s32 $0x1BFF;
	s21 =	sshll.u32 s7, $0x1;
	s4 =	sadd.s32 s5, s19  }
0x9d: {  	s8 =	simm.s32 $0x0;
	s20 =	sshll.u32 s6, $0x1;
	s6 =	sadd.s32 s21, s4  }
0x9e: {  	[timem:s8], [sflag:s22] =	dma.local [hbm:s6], s20  }
0x9f: {  	_ =	swait.ge [sflag:s22], s20  }
0xa0: {  	s5 =	ssub.s32 $0x0, s20;
	[sflag:s22] =	ssyncset.done $0x0  }
0xa1: {  	[sflag:s22] =	ssyncadd.s32 s5;
	_ =	sdelay $0x1  }
0xa2: {  	s23 =	simm.s32 $0x1B8B  }
0xa3: {  	_ =	swait.ge [sflag:s23], $0x1  }
0xa4: {  	[sflag:s23] =	ssyncset.done $0x0  }
0xa5: {  	s25 =	simm.s32 $0x1B8E;
	s24 =	sld [smem:$0x3FFE];
	[sflag:s23] =	ssyncadd.s32 $0xFFFFFFFF  }
0xa6: {  	s26 =	simm.s32 $execute0_lowered;
	[smem:$0x3FD2] =	sst s25  }
0xa7: {  	s6 =	sshll.u32 s26, $0x1;
	_ =	strace $0x80000046;
	[dreg:$0x1] =	wrdreg $0xFFFFFFFF  }
0xa8: {  	s28 =	simm.s32 $_size_execute0_lowered;
	s4 =	sadd.s32 s4, s6;
	[dreg:$0x0] =	wrdreg $0x0  }
0xa9: {  	s6 =	sshll.u32 s28, $0x1;
	[dreg:$0x2] =	wrdreg s4  }
0xaa: {  	[dreg:$0x3] =	wrdreg s6  }
0xab: {  	[dreg:$0x4] =	wrdreg $0xC0  }
0xac: {  	_ =	task [dreg:s8], $0x5FFFF  }
0xad: {  	[dreg:$0x1] =	wrdreg $0xFFFFFFFF  }
0xae: {  	[dreg:$0x0] =	wrdreg $0x60  }
0xaf: {  	[dreg:$0x2] =	wrdreg s2  }
0xb0: {  	[dreg:$0x3] =	wrdreg s24  }
0xb1: {  	[dreg:$0x4] =	wrdreg s18  }
0xb2: {  	[dreg:$0x5] =	wrdreg $0x9  }
0xb3: {  	_ =	task.clear_ibuf [dreg:s8], $0x6FFFF;
	_ =	strace $0x90000046  }
0xb4: {  	s29 =	simm.s32 $0x9;
	_ =	strace $0x80000048  }
0xb5: {  	_ =	swait.ge [sflag:s29], $0x1  }
0xb6: {  	[sflag:s29] =	ssyncadd.s32 $0xFFFFFFFF  }
0xb7: {  	_ =	strace $0x90000048  }
0xb8: {  	_ =	sfence  }
0xb9: {  	s30 =	sld [smem:$0x0];
	_ =	sdelay $0x2  }
0xba: {  	s31 =	sshll.u32 s1, $0xD;
	s1 =	sshrl.u32 s1, $0x2  }
0xbb: {  	s3 =	sand.u32 $0x4000, s31;
	s1 =	sadd.s32 s1, s30  }
0xbc: {  	s0 =	sor.u32 s3, s0;
	s1 =	sshll.u32 s1, $0x11  }
0xbd: {  	s0 =	sor.u32 s1, s0  }
0xbe: {  	s0 =	sadd.s32 $0x8F2B, s0  }
0xbf: {  	[sflag:s0] =	ssyncadd.remote.s32 $0x1  }
0xc0: {  	_ =	sfence.sel $0xFFFF  }
0xc1: {  	[dreg:$0x0] =	wrdreg $0xFFFFFFFF;
	(pc) =	sbr.abs _section_cstart, $3  }
0xc2: {  	[dreg:$0x1] =	wrdreg $0xFFFFFFFF  }
0xc3: {  	_ =	task.clear_ibuf [dreg:s8], $0x2FFFF;
	_ =	strace $0x9FFFFFFF  }
0xc4: {  	(tm) =	ssettm $0x7FFFFFFF  }
0xc5: {  	_ =	shalt  }
tec
execute0_lowered:
.L_overlay_start_1:
0x0: {  	(tag) =	ssettag $0x1  }
0x1: {  	s1 =	rddreg [dreg:$0x0]  }
0x2: {  	s4 =	rddreg [dreg:$0x1]  }
0x3: {  	s5 =	rddreg [dreg:$0x2];
	s3 =	srdreg.scid  }
0x4: {  	s0 =	rddreg [dreg:$0x3];
	s2 =	stileid.u32;
	s10 =	simm.s32 $0x1080  }
0x5: {  	s11 =	simm.s32 $0x1880;
	s12 =	simm.s32 $0x2080;
	s13 =	simm.s32 $0x2880  }
0x6: {  	s14 =	simm.s32 $0x3080;
	s15 =	simm.s32 $0x3880;
	s16 =	simm.s32 $0x1  }
0x7: {  	s6 =	sand.u32 $0x1, s3;
	s3 =	simm.s32 $0x0;
	s7 =	sshll.u32 s2, $0x7  }
0x8: {  	s8 =	sshll.u32 s6, $0x6;
	[smem:$0x7FF] =	sst s3;
	s6 =	ssub.s32 $0x2, s6  }
0x9: {  	s7 =	sor.u32 s8, s7;
	_ =	strace $0x80000047;
	s31 =	sshrl.u32 s6, $0x1  }
0xa: {  	v2 =	vlaneseq.u32;
	s8 =	simm.s32 $0x80;
	s9 =	sshrl.u32 s7, $0x3;
	s7 =	sshll.u32 s7, $0x5  }
0xb: {  	vm0 =	vmmov $0xffff;
	v1 =	vshrl.u32 v2, $0x3;
	s6 =	ssub.s32 s6, s31;
	s4 =	sadd.s32 s4, s9;
	s5 =	sadd.s32 s5, s7  }
0xc: {  	v0 =	vand.u32 $0x7, v2;
	v2 =	vor.u32 $0x8, v2;
	v1 =	vmul.u32 $0x8, v1;
	s6 =	smax.u32 s6, $0x1;
	s7 =	simm.s32 $0x2;
	s9 =	simm.s32 $0x880  }
.LBB2_1:
0xd: {  	[tilespmem:s3], [sflag:$0x2] =	stream.linear.gather [hbm4b:s4+s3], $0x40, $0x38;
	[tilespmem:$0x4080] =	vst v63  }
0xe: {  	_ =	swait.ge [sflag:s7], $0x40  }
0xf: {  	[sflag:s7] =	ssyncset.done $0x0  }
0x10: {  	[sflag:s7] =	ssyncadd.s32 $0xFFFFFFC0  }
0x11: {  	v3 =	vld [tilespmem:$0x0];
	_ =	sdelay $0x4  }
0x12: {  	v4 =	vshll.u32 v3, $0x1  }
0x13: {  	v3 =	vand.u32 $0x7, v3;
	v4 =	vand.u32 $0xFFFFFFF0, v4  }
0x14: {  	v3 =	vor.u32 v3, v4  }
0x15: {  	v4 =	vperm.xlane v3, v0;
	_ =	sdelay $0x1  }
0x16: {  	v3 =	vperm.xlane v3, v2;
	v4 =	vadd.s32 v1, v4;
	_ =	sdelay $0x1  }
0x17: {  	v3 =	vadd.s32 v1, v3;
	_ =	sdelay $0x2  }
0x18: {  	[tilespmem:s8], [sflag:$0x1] =	stream.indirect_vreg.gather [hbm4b:s1+s3], $0x80, v4, vm0, $0xb8;
	[tilespmem:$0x4080] =	vst v63  }
0x19: {  	_ = 	snop  }
0x1a: {  	[tilespmem:s9], [sflag:$0x1] =	stream.indirect_vreg.gather [hbm4b:s1+s3], $0x80, v3, vm0, $0xb8;
	[tilespmem:$0x4080] =	vst v63  }
0x1b: {  	v3 =	vld [tilespmem:$0x10];
	_ =	sdelay $0x4  }
0x1c: {  	v61 =	vshll.u32 v3, $0x1  }
0x1d: {  	v3 =	vand.u32 $0x7, v3;
	v4 =	vand.u32 $0xFFFFFFF0, v61  }
0x1e: {  	v3 =	vor.u32 v3, v4  }
0x1f: {  	v4 =	vperm.xlane v3, v0;
	_ =	sdelay $0x1  }
0x20: {  	v3 =	vperm.xlane v3, v2;
	v4 =	vadd.s32 v1, v4;
	_ =	sdelay $0x1  }
0x21: {  	v3 =	vadd.s32 v1, v3;
	_ =	sdelay $0x2  }
0x22: {  	[tilespmem:s10], [sflag:$0x1] =	stream.indirect_vreg.gather [hbm4b:s1+s3], $0x80, v4, vm0, $0xb8;
	[tilespmem:$0x4080] =	vst v63  }
0x23: {  	_ = 	snop  }
0x24: {  	[tilespmem:s11], [sflag:$0x1] =	stream.indirect_vreg.gather [hbm4b:s1+s3], $0x80, v3, vm0, $0xb8;
	[tilespmem:$0x4080] =	vst v63  }
0x25: {  	v3 =	vld [tilespmem:$0x20];
	_ =	sdelay $0x4  }
0x26: {  	v62 =	vshll.u32 v3, $0x1  }
0x27: {  	v3 =	vand.u32 $0x7, v3;
	v4 =	vand.u32 $0xFFFFFFF0, v62  }
0x28: {  	v3 =	vor.u32 v3, v4  }
0x29: {  	v4 =	vperm.xlane v3, v0;
	_ =	sdelay $0x1  }
0x2a: {  	v3 =	vperm.xlane v3, v2;
	v4 =	vadd.s32 v1, v4;
	_ =	sdelay $0x1  }
0x2b: {  	v3 =	vadd.s32 v1, v3;
	_ =	sdelay $0x2  }
0x2c: {  	[tilespmem:s12], [sflag:$0x1] =	stream.indirect_vreg.gather [hbm4b:s1+s3], $0x80, v4, vm0, $0xb8;
	[tilespmem:$0x4080] =	vst v63  }
0x2d: {  	_ = 	snop  }
0x2e: {  	[tilespmem:s13], [sflag:$0x1] =	stream.indirect_vreg.gather [hbm4b:s1+s3], $0x80, v3, vm0, $0xb8;
	[tilespmem:$0x4080] =	vst v63  }
0x2f: {  	v3 =	vld [tilespmem:$0x30];
	_ =	sdelay $0x4  }
0x30: {  	v63 =	vshll.u32 v3, $0x1  }
0x31: {  	v3 =	vand.u32 $0x7, v3;
	v4 =	vand.u32 $0xFFFFFFF0, v63  }
0x32: {  	v3 =	vor.u32 v3, v4  }
0x33: {  	v4 =	vperm.xlane v3, v0;
	_ =	sdelay $0x1  }
0x34: {  	v3 =	vperm.xlane v3, v2;
	v4 =	vadd.s32 v1, v4;
	_ =	sdelay $0x1  }
0x35: {  	v3 =	vadd.s32 v1, v3;
	_ =	sdelay $0x2  }
0x36: {  	[tilespmem:s14], [sflag:$0x1] =	stream.indirect_vreg.gather [hbm4b:s1+s3], $0x80, v4, vm0, $0xb8;
	[tilespmem:$0x4080] =	vst v63  }
0x37: {  	_ = 	snop  }
0x38: {  	[tilespmem:s15], [sflag:$0x1] =	stream.indirect_vreg.gather [hbm4b:s1+s3], $0x80, v3, vm0, $0xb8;
	[tilespmem:$0x4080] =	vst v63  }
0x39: {  	_ =	swait.ge [sflag:s16], $0x4000  }
0x3a: {  	p0 =	sne.s32 s6, $0x1;
	[sflag:s16] =	ssyncset.done $0x0  }
.Ltmp0:
0x3b: {  	[sflag:s16] =	ssyncadd.s32 $0xFFFFC000;
	(pc) =	sbr.rel @p0 .LBB2_1-.Ltmp0, $4  }
0x3c: {  	[hbm4b:s5+s3] =	stream.linear.scatter [tilespmem:s8], [sflag:$0x2], $0x4000, $0x38;
	[tilespmem:$0x4080] =	vst v63  }
0x3d: {  	_ =	swait.ge [sflag:s7], $0x4000  }
0x3e: {  	[sflag:s7] =	ssyncset.done $0x0  }
0x3f: {  	s6 =	sadd.s32 $0xFFFFFFFF, s6;
	[sflag:s7] =	ssyncadd.s32 $0xFFFFC000  }
0x40: {  	_ =	sfence.sel $0x180000  }
0x41: {  	[bflag:$0x0] =	sbarrier.arrive $0xFFFF  }
0x42: {  	p0 =	sne.s32 s2, $0x0;
	_ =	strace $0x90000047  }
0x43: {  	s0 =	sadd.s32 @!p0 $0x100000, s0;
	[bflag:$0x2] =	sbarrier.arrive $0xFFFF  }
0x44: {  	[sflag:s0] =	ssyncadd.tile.s32 @!p0 $0x1;
	_ =	shalt  }
.Lfunc_end2:
_tile_overlayer_lowered:
.L_overlay_start_2:
0x45: {  	(tag) =	ssettag $0x2  }
0x46: {  	s0 =	rddreg [dreg:$0x0];
	s2 =	stileid.u32  }
0x47: {  	s1 =	rddreg [dreg:$0x1];
	p0 =	sne.s32 s2, $0x0  }
0x48: {  	s3 =	rddreg [dreg:$0x2];
	[bflag:$0x3] =	sbarrier.arrive $0xFFFF;
	s2 =	simm.s32 @!p0 $0x1C02  }
0x49: {  	[timem:s3], [sflag:s2] =	dma.local @!p0 [hbm:s0], s1  }
0x4a: {  	s0 =	simm.s32 @!p0 $0x2  }
0x4b: {  	_ =	swait.ge @!p0 [sflag:s0], s1  }
0x4c: {  	s1 =	ssub.s32 @!p0 $0x0, s1;
	[sflag:s0] =	ssyncset.done @!p0 $0x0  }
0x4d: {  	[sflag:s0] =	ssyncadd.s32 @!p0 s1  }
0x4e: {  	[bflag:$0x3] =	sbarrier.arrive $0xFFFF  }
0x4f: {  	_ =	shalt  }

</sc_bundles>
